<compile_context>
chip_gen: v7x
topology: tpu7x:2x2x1
jax: 0.10.2.dev20260603
libtpu: 0.0.44.dev20260713+nightly
codegen_flags: <defaults>
</compile_context>

<pallas_src>
import functools

import jax
import jax.numpy as jnp
from jax import lax
from jax.experimental import pallas as pl
from jax.experimental.pallas import tpu as pltpu
from jax.experimental.pallas import tpu_sc as plsc

W = 128
NB = 5
GD = 2


def kernel(input, table):
    B0, B1 = input.shape
    V, D = table.shape

    info = plsc.get_sparse_core_info()
    NC, NS = info.num_cores, info.num_subcores
    NW = NC * NS
    RW = B0 // NW
    SUB = RW // W
    n_ch = B1 * SUB

    idx_t = jnp.transpose(input.astype(jnp.int32))
    mesh = plsc.VectorSubcoreMesh(core_axis_name="c", subcore_axis_name="s")

    @functools.partial(
        pl.kernel,
        out_type=jax.ShapeDtypeStruct((B1, B0, D), jnp.float32),
        mesh=mesh,
        scratch_types=[
            pltpu.VMEM((B1, RW), jnp.int32),
            [pltpu.VMEM((W, D), jnp.float32) for _ in range(NB)],
            [pltpu.SemaphoreType.DMA for _ in range(NB)],
            [pltpu.SemaphoreType.DMA for _ in range(NB)],
        ],
    )
    def gather_k(table_hbm, idx_hbm, out_hbm, idx_v, bufs, sg, so):
        wid = lax.axis_index("s") * NC + lax.axis_index("c")
        base = wid * RW
        pltpu.sync_copy(idx_hbm.at[:, pl.ds(base, RW)], idx_v)

        def fire_g(c, b):
            src = table_hbm.at[idx_v.at[c // SUB, pl.ds((c % SUB) * W, W)]]
            pltpu.async_copy(src, bufs[b], sg[b])

        def fire_o(c, b):
            dst = out_hbm.at[c // SUB, pl.ds(base + (c % SUB) * W, W)]
            pltpu.async_copy(bufs[b], dst, so[b])

        def wait(sem, b):
            pltpu.make_async_copy(table_hbm.at[pl.ds(0, W)], bufs[b], sem[b]).wait()

        for c in range(GD):
            fire_g(c, c)

        for c in range(NB):
            wait(sg, c)
            fire_o(c, c)
            if c >= NB - GD:
                wait(so, c - (NB - GD))
            fire_g(c + GD, (c + GD) % NB)

        @pl.loop(NB, n_ch, step=NB)
        def body(j):
            for b in range(NB):
                c = j + b
                wait(sg, b)
                fire_o(c, b)
                wait(so, (b + GD) % NB)
                fire_g(jnp.minimum(c + GD, n_ch - 1), (b + GD) % NB)

        for b in range(GD):
            wait(sg, b)
        for b in range(GD, NB):
            wait(so, b)

    out_t = gather_k(table, idx_t)
    return jnp.transpose(out_t, (1, 0, 2))

# --- scband reference (transcript-rebuilt; emitter-appended) ---
"""Pipeline reference for scband-categorical-condition-76218489635207 (READ-ONLY COPY).

The authoritative reference and input builder live on the scoring server;
editing this copy changes nothing except your own understanding.
"""

import jax, jax.numpy as jnp
import numpy as np


def setup_inputs(seed: int = 0) -> dict:
    key = jax.random.key(seed)
    k_idx, k_tbl = jax.random.split(key)
    indices = jax.random.randint(k_idx, (4096, 50), 0, 100000, dtype=jnp.int64 if jax.config.jax_enable_x64 else jnp.int32)
    table = jax.random.normal(k_tbl, (100000, 128), dtype=jnp.float32)
    return {"input": indices, "table": table}


def reference(input, table):
    # nn.Embedding forward: gather rows of the embedding table
    return jnp.take(table, input, axis=0)

if __name__ == "__main__":
    import jax
    _d = setup_inputs()
    print(jax.jit(kernel)(*tuple(_d.values())))

</pallas_src>

<mosaic_0001>
#map = affine_map<(d0, d1) -> (0, 0)>
#map1 = affine_map<(d0, d1) -> (0, 0, 0)>
module attributes {stable_mosaic.version = 14 : i64} {
  func.func @gather_k(%arg0: i32, %arg1: i32, %arg2: memref<100000x128xf32, #tpu.memory_space<hbm>>, %arg3: memref<50x4096xi32, #tpu.memory_space<hbm>>, %arg4: memref<50x4096x128xf32, #tpu.memory_space<hbm>>, %arg5: memref<50x128xi32, #tpu.memory_space<vmem>>, %arg6: memref<128x128xf32, #tpu.memory_space<vmem>>, %arg7: memref<128x128xf32, #tpu.memory_space<vmem>>, %arg8: memref<128x128xf32, #tpu.memory_space<vmem>>, %arg9: memref<128x128xf32, #tpu.memory_space<vmem>>, %arg10: memref<128x128xf32, #tpu.memory_space<vmem>>, %arg11: memref<!tpu.dma_semaphore, #tpu.memory_space<semaphore_mem>>, %arg12: memref<!tpu.dma_semaphore, #tpu.memory_space<semaphore_mem>>, %arg13: memref<!tpu.dma_semaphore, #tpu.memory_space<semaphore_mem>>, %arg14: memref<!tpu.dma_semaphore, #tpu.memory_space<semaphore_mem>>, %arg15: memref<!tpu.dma_semaphore, #tpu.memory_space<semaphore_mem>>, %arg16: memref<!tpu.dma_semaphore, #tpu.memory_space<semaphore_mem>>, %arg17: memref<!tpu.dma_semaphore, #tpu.memory_space<semaphore_mem>>, %arg18: memref<!tpu.dma_semaphore, #tpu.memory_space<semaphore_mem>>, %arg19: memref<!tpu.dma_semaphore, #tpu.memory_space<semaphore_mem>>, %arg20: memref<!tpu.dma_semaphore, #tpu.memory_space<semaphore_mem>>) attributes {dimension_semantics = [#tpu.dimension_semantics<core_parallel>, #tpu.dimension_semantics<subcore_parallel>], iteration_bounds = array<i64: 2, 16>, scalar_prefetch = 0 : i64, scratch_operands = 16 : i64, tpu.core_type = #tpu.core_type<sc_vector_subcore>, window_params = [{transform_indices = #map}, {transform_indices = #map}, {transform_indices = #map1}]} {
    %mul3A = arith.constant 2 : i32
    %mul3A_0 = arith.muli %arg1, %mul3A : i32
    %add3A = arith.addi %mul3A_0, %arg0 : i32
    %mul3A_1 = arith.constant 128 : i32
    %mul3A_2 = arith.muli %add3A, %mul3A_1 : i32
    "tpu.region"() ({
      %run_scoped3A = tpu.sem_alloc : memref<!tpu.dma_semaphore, #tpu.memory_space<semaphore_mem>>
      %dma_start3A_171 = arith.constant 0 : i32
      %dma_start3A_172 = tpu.memref_slice %arg3[%dma_start3A_171, %mul3A_2] : memref<50x4096xi32, #tpu.memory_space<hbm>> -> memref<50x128xi32, #tpu.memory_space<hbm>>
      %dma_start3A_173 = arith.constant 0 : i32
      %dma_start3A_174 = tpu.memref_slice %arg3[%dma_start3A_173, %mul3A_2] : memref<50x4096xi32, #tpu.memory_space<hbm>> -> memref<50x128xi32, #tpu.memory_space<hbm>>
      tpu.enqueue_dma source(%dma_start3A_174 : memref<50x128xi32, #tpu.memory_space<hbm>>) target(%arg5 : memref<50x128xi32, #tpu.memory_space<vmem>>) target_semaphore(%run_scoped3A : memref<!tpu.dma_semaphore, #tpu.memory_space<semaphore_mem>>)
      %dma_wait3A_175 = arith.constant 0 : i32
      %dma_wait3A_176 = tpu.memref_slice %arg3[%dma_wait3A_175, %mul3A_2] : memref<50x4096xi32, #tpu.memory_space<hbm>> -> memref<50x128xi32, #tpu.memory_space<hbm>>
      %dma_wait3A_177 = arith.constant 0 : i32
      %dma_wait3A_178 = tpu.memref_slice %arg3[%dma_wait3A_177, %mul3A_2] : memref<50x4096xi32, #tpu.memory_space<hbm>> -> memref<50x128xi32, #tpu.memory_space<hbm>>
      tpu.wait_dma2 semaphore(%run_scoped3A : memref<!tpu.dma_semaphore, #tpu.memory_space<semaphore_mem>>) src(%dma_wait3A_178 : memref<50x128xi32, #tpu.memory_space<hbm>>) dst(%arg5 : memref<50x128xi32, #tpu.memory_space<vmem>>)
      tpu.yield
    }) : () -> ()
    %dma_start3A = arith.constant 0 : i32
    %dma_start3A_3 = arith.constant 0 : i32
    %dma_start3A_4 = tpu.memref_slice %arg5[%dma_start3A, %dma_start3A_3] : memref<50x128xi32, #tpu.memory_space<vmem>> -> memref<1x128xi32, #tpu.memory_space<vmem>>
    %dma_start3A_5 = tpu.memref_squeeze %dma_start3A_4 : memref<1x128xi32, #tpu.memory_space<vmem>> -> memref<128xi32, #tpu.memory_space<vmem>>
    %dma_start3A_6 = arith.constant 0 : i32
    %dma_start3A_7 = arith.constant 0 : i32
    %dma_start3A_8 = tpu.memref_slice %arg2[%dma_start3A_6, %dma_start3A_7] : memref<100000x128xf32, #tpu.memory_space<hbm>> -> memref<100000x128xf32, #tpu.memory_space<hbm>>
    tpu.enqueue_indirect_dma source(%dma_start3A_8 : memref<100000x128xf32, #tpu.memory_space<hbm>>) target(%arg6 : memref<128x128xf32, #tpu.memory_space<vmem>>) offsets(%dma_start3A_5 : memref<128xi32, #tpu.memory_space<vmem>>) semaphore(%arg11 : memref<!tpu.dma_semaphore, #tpu.memory_space<semaphore_mem>>)
    %dma_start3A_9 = arith.constant 1 : i32
    %dma_start3A_10 = arith.constant 0 : i32
    %dma_start3A_11 = tpu.memref_slice %arg5[%dma_start3A_9, %dma_start3A_10] : memref<50x128xi32, #tpu.memory_space<vmem>> -> memref<1x128xi32, #tpu.memory_space<vmem>>
    %dma_start3A_12 = tpu.memref_squeeze %dma_start3A_11 : memref<1x128xi32, #tpu.memory_space<vmem>> -> memref<128xi32, #tpu.memory_space<vmem>>
    %dma_start3A_13 = arith.constant 0 : i32
    %dma_start3A_14 = arith.constant 0 : i32
    %dma_start3A_15 = tpu.memref_slice %arg2[%dma_start3A_13, %dma_start3A_14] : memref<100000x128xf32, #tpu.memory_space<hbm>> -> memref<100000x128xf32, #tpu.memory_space<hbm>>
    tpu.enqueue_indirect_dma source(%dma_start3A_15 : memref<100000x128xf32, #tpu.memory_space<hbm>>) target(%arg7 : memref<128x128xf32, #tpu.memory_space<vmem>>) offsets(%dma_start3A_12 : memref<128xi32, #tpu.memory_space<vmem>>) semaphore(%arg12 : memref<!tpu.dma_semaphore, #tpu.memory_space<semaphore_mem>>)
    %dma_wait3A = arith.constant 0 : i32
    %dma_wait3A_16 = arith.constant 0 : i32
    %dma_wait3A_17 = tpu.memref_slice %arg2[%dma_wait3A, %dma_wait3A_16] : memref<100000x128xf32, #tpu.memory_space<hbm>> -> memref<128x128xf32, #tpu.memory_space<hbm>>
    %dma_wait3A_18 = arith.constant 0 : i32
    %dma_wait3A_19 = arith.constant 0 : i32
    %dma_wait3A_20 = tpu.memref_slice %arg2[%dma_wait3A_18, %dma_wait3A_19] : memref<100000x128xf32, #tpu.memory_space<hbm>> -> memref<128x128xf32, #tpu.memory_space<hbm>>
    tpu.wait_dma2 semaphore(%arg11 : memref<!tpu.dma_semaphore, #tpu.memory_space<semaphore_mem>>) src(%dma_wait3A_20 : memref<128x128xf32, #tpu.memory_space<hbm>>) dst(%arg6 : memref<128x128xf32, #tpu.memory_space<vmem>>)
    %add3A_21 = arith.constant 0 : i32
    %add3A_22 = arith.addi %mul3A_2, %add3A_21 : i32
    %dma_start3A_23 = arith.constant 0 : i32
    %dma_start3A_24 = arith.constant 0 : i32
    %dma_start3A_25 = tpu.memref_slice %arg4[%dma_start3A_23, %add3A_22, %dma_start3A_24] : memref<50x4096x128xf32, #tpu.memory_space<hbm>> -> memref<1x128x128xf32, #tpu.memory_space<hbm>>
    %dma_start3A_26 = tpu.memref_squeeze %dma_start3A_25 : memref<1x128x128xf32, #tpu.memory_space<hbm>> -> memref<128x128xf32, #tpu.memory_space<hbm>>
    %dma_start3A_27 = arith.constant 0 : i32
    %dma_start3A_28 = tpu.memref_slice %arg4[%dma_start3A_23, %add3A_22, %dma_start3A_27] : memref<50x4096x128xf32, #tpu.memory_space<hbm>> -> memref<1x128x128xf32, #tpu.memory_space<hbm>>
    %dma_start3A_29 = tpu.memref_squeeze %dma_start3A_28 : memref<1x128x128xf32, #tpu.memory_space<hbm>> -> memref<128x128xf32, #tpu.memory_space<hbm>>
    tpu.enqueue_dma source(%arg6 : memref<128x128xf32, #tpu.memory_space<vmem>>) target(%dma_start3A_29 : memref<128x128xf32, #tpu.memory_space<hbm>>) target_semaphore(%arg16 : memref<!tpu.dma_semaphore, #tpu.memory_space<semaphore_mem>>)
    %dma_start3A_30 = arith.constant 2 : i32
    %dma_start3A_31 = arith.constant 0 : i32
    %dma_start3A_32 = tpu.memref_slice %arg5[%dma_start3A_30, %dma_start3A_31] : memref<50x128xi32, #tpu.memory_space<vmem>> -> memref<1x128xi32, #tpu.memory_space<vmem>>
    %dma_start3A_33 = tpu.memref_squeeze %dma_start3A_32 : memref<1x128xi32, #tpu.memory_space<vmem>> -> memref<128xi32, #tpu.memory_space<vmem>>
    %dma_start3A_34 = arith.constant 0 : i32
    %dma_start3A_35 = arith.constant 0 : i32
    %dma_start3A_36 = tpu.memref_slice %arg2[%dma_start3A_34, %dma_start3A_35] : memref<100000x128xf32, #tpu.memory_space<hbm>> -> memref<100000x128xf32, #tpu.memory_space<hbm>>
    tpu.enqueue_indirect_dma source(%dma_start3A_36 : memref<100000x128xf32, #tpu.memory_space<hbm>>) target(%arg8 : memref<128x128xf32, #tpu.memory_space<vmem>>) offsets(%dma_start3A_33 : memref<128xi32, #tpu.memory_space<vmem>>) semaphore(%arg13 : memref<!tpu.dma_semaphore, #tpu.memory_space<semaphore_mem>>)
    %dma_wait3A_37 = arith.constant 0 : i32
    %dma_wait3A_38 = arith.constant 0 : i32
    %dma_wait3A_39 = tpu.memref_slice %arg2[%dma_wait3A_37, %dma_wait3A_38] : memref<100000x128xf32, #tpu.memory_space<hbm>> -> memref<128x128xf32, #tpu.memory_space<hbm>>
    %dma_wait3A_40 = arith.constant 0 : i32
    %dma_wait3A_41 = arith.constant 0 : i32
    %dma_wait3A_42 = tpu.memref_slice %arg2[%dma_wait3A_40, %dma_wait3A_41] : memref<100000x128xf32, #tpu.memory_space<hbm>> -> memref<128x128xf32, #tpu.memory_space<hbm>>
    tpu.wait_dma2 semaphore(%arg12 : memref<!tpu.dma_semaphore, #tpu.memory_space<semaphore_mem>>) src(%dma_wait3A_42 : memref<128x128xf32, #tpu.memory_space<hbm>>) dst(%arg7 : memref<128x128xf32, #tpu.memory_space<vmem>>)
    %add3A_43 = arith.constant 0 : i32
    %add3A_44 = arith.addi %mul3A_2, %add3A_43 : i32
    %dma_start3A_45 = arith.constant 1 : i32
    %dma_start3A_46 = arith.constant 0 : i32
    %dma_start3A_47 = tpu.memref_slice %arg4[%dma_start3A_45, %add3A_44, %dma_start3A_46] : memref<50x4096x128xf32, #tpu.memory_space<hbm>> -> memref<1x128x128xf32, #tpu.memory_space<hbm>>
    %dma_start3A_48 = tpu.memref_squeeze %dma_start3A_47 : memref<1x128x128xf32, #tpu.memory_space<hbm>> -> memref<128x128xf32, #tpu.memory_space<hbm>>
    %dma_start3A_49 = arith.constant 0 : i32
    %dma_start3A_50 = tpu.memref_slice %arg4[%dma_start3A_45, %add3A_44, %dma_start3A_49] : memref<50x4096x128xf32, #tpu.memory_space<hbm>> -> memref<1x128x128xf32, #tpu.memory_space<hbm>>
    %dma_start3A_51 = tpu.memref_squeeze %dma_start3A_50 : memref<1x128x128xf32, #tpu.memory_space<hbm>> -> memref<128x128xf32, #tpu.memory_space<hbm>>
    tpu.enqueue_dma source(%arg7 : memref<128x128xf32, #tpu.memory_space<vmem>>) target(%dma_start3A_51 : memref<128x128xf32, #tpu.memory_space<hbm>>) target_semaphore(%arg17 : memref<!tpu.dma_semaphore, #tpu.memory_space<semaphore_mem>>)
    %dma_start3A_52 = arith.constant 3 : i32
    %dma_start3A_53 = arith.constant 0 : i32
    %dma_start3A_54 = tpu.memref_slice %arg5[%dma_start3A_52, %dma_start3A_53] : memref<50x128xi32, #tpu.memory_space<vmem>> -> memref<1x128xi32, #tpu.memory_space<vmem>>
    %dma_start3A_55 = tpu.memref_squeeze %dma_start3A_54 : memref<1x128xi32, #tpu.memory_space<vmem>> -> memref<128xi32, #tpu.memory_space<vmem>>
    %dma_start3A_56 = arith.constant 0 : i32
    %dma_start3A_57 = arith.constant 0 : i32
    %dma_start3A_58 = tpu.memref_slice %arg2[%dma_start3A_56, %dma_start3A_57] : memref<100000x128xf32, #tpu.memory_space<hbm>> -> memref<100000x128xf32, #tpu.memory_space<hbm>>
    tpu.enqueue_indirect_dma source(%dma_start3A_58 : memref<100000x128xf32, #tpu.memory_space<hbm>>) target(%arg9 : memref<128x128xf32, #tpu.memory_space<vmem>>) offsets(%dma_start3A_55 : memref<128xi32, #tpu.memory_space<vmem>>) semaphore(%arg14 : memref<!tpu.dma_semaphore, #tpu.memory_space<semaphore_mem>>)
    %dma_wait3A_59 = arith.constant 0 : i32
    %dma_wait3A_60 = arith.constant 0 : i32
    %dma_wait3A_61 = tpu.memref_slice %arg2[%dma_wait3A_59, %dma_wait3A_60] : memref<100000x128xf32, #tpu.memory_space<hbm>> -> memref<128x128xf32, #tpu.memory_space<hbm>>
    %dma_wait3A_62 = arith.constant 0 : i32
    %dma_wait3A_63 = arith.constant 0 : i32
    %dma_wait3A_64 = tpu.memref_slice %arg2[%dma_wait3A_62, %dma_wait3A_63] : memref<100000x128xf32, #tpu.memory_space<hbm>> -> memref<128x128xf32, #tpu.memory_space<hbm>>
    tpu.wait_dma2 semaphore(%arg13 : memref<!tpu.dma_semaphore, #tpu.memory_space<semaphore_mem>>) src(%dma_wait3A_64 : memref<128x128xf32, #tpu.memory_space<hbm>>) dst(%arg8 : memref<128x128xf32, #tpu.memory_space<vmem>>)
    %add3A_65 = arith.constant 0 : i32
    %add3A_66 = arith.addi %mul3A_2, %add3A_65 : i32
    %dma_start3A_67 = arith.constant 2 : i32
    %dma_start3A_68 = arith.constant 0 : i32
    %dma_start3A_69 = tpu.memref_slice %arg4[%dma_start3A_67, %add3A_66, %dma_start3A_68] : memref<50x4096x128xf32, #tpu.memory_space<hbm>> -> memref<1x128x128xf32, #tpu.memory_space<hbm>>
    %dma_start3A_70 = tpu.memref_squeeze %dma_start3A_69 : memref<1x128x128xf32, #tpu.memory_space<hbm>> -> memref<128x128xf32, #tpu.memory_space<hbm>>
    %dma_start3A_71 = arith.constant 0 : i32
    %dma_start3A_72 = tpu.memref_slice %arg4[%dma_start3A_67, %add3A_66, %dma_start3A_71] : memref<50x4096x128xf32, #tpu.memory_space<hbm>> -> memref<1x128x128xf32, #tpu.memory_space<hbm>>
    %dma_start3A_73 = tpu.memref_squeeze %dma_start3A_72 : memref<1x128x128xf32, #tpu.memory_space<hbm>> -> memref<128x128xf32, #tpu.memory_space<hbm>>
    tpu.enqueue_dma source(%arg8 : memref<128x128xf32, #tpu.memory_space<vmem>>) target(%dma_start3A_73 : memref<128x128xf32, #tpu.memory_space<hbm>>) target_semaphore(%arg18 : memref<!tpu.dma_semaphore, #tpu.memory_space<semaphore_mem>>)
    %dma_start3A_74 = arith.constant 4 : i32
    %dma_start3A_75 = arith.constant 0 : i32
    %dma_start3A_76 = tpu.memref_slice %arg5[%dma_start3A_74, %dma_start3A_75] : memref<50x128xi32, #tpu.memory_space<vmem>> -> memref<1x128xi32, #tpu.memory_space<vmem>>
    %dma_start3A_77 = tpu.memref_squeeze %dma_start3A_76 : memref<1x128xi32, #tpu.memory_space<vmem>> -> memref<128xi32, #tpu.memory_space<vmem>>
    %dma_start3A_78 = arith.constant 0 : i32
    %dma_start3A_79 = arith.constant 0 : i32
    %dma_start3A_80 = tpu.memref_slice %arg2[%dma_start3A_78, %dma_start3A_79] : memref<100000x128xf32, #tpu.memory_space<hbm>> -> memref<100000x128xf32, #tpu.memory_space<hbm>>
    tpu.enqueue_indirect_dma source(%dma_start3A_80 : memref<100000x128xf32, #tpu.memory_space<hbm>>) target(%arg10 : memref<128x128xf32, #tpu.memory_space<vmem>>) offsets(%dma_start3A_77 : memref<128xi32, #tpu.memory_space<vmem>>) semaphore(%arg15 : memref<!tpu.dma_semaphore, #tpu.memory_space<semaphore_mem>>)
    %dma_wait3A_81 = arith.constant 0 : i32
    %dma_wait3A_82 = arith.constant 0 : i32
    %dma_wait3A_83 = tpu.memref_slice %arg2[%dma_wait3A_81, %dma_wait3A_82] : memref<100000x128xf32, #tpu.memory_space<hbm>> -> memref<128x128xf32, #tpu.memory_space<hbm>>
    %dma_wait3A_84 = arith.constant 0 : i32
    %dma_wait3A_85 = arith.constant 0 : i32
    %dma_wait3A_86 = tpu.memref_slice %arg2[%dma_wait3A_84, %dma_wait3A_85] : memref<100000x128xf32, #tpu.memory_space<hbm>> -> memref<128x128xf32, #tpu.memory_space<hbm>>
    tpu.wait_dma2 semaphore(%arg14 : memref<!tpu.dma_semaphore, #tpu.memory_space<semaphore_mem>>) src(%dma_wait3A_86 : memref<128x128xf32, #tpu.memory_space<hbm>>) dst(%arg9 : memref<128x128xf32, #tpu.memory_space<vmem>>)
    %add3A_87 = arith.constant 0 : i32
    %add3A_88 = arith.addi %mul3A_2, %add3A_87 : i32
    %dma_start3A_89 = arith.constant 3 : i32
    %dma_start3A_90 = arith.constant 0 : i32
    %dma_start3A_91 = tpu.memref_slice %arg4[%dma_start3A_89, %add3A_88, %dma_start3A_90] : memref<50x4096x128xf32, #tpu.memory_space<hbm>> -> memref<1x128x128xf32, #tpu.memory_space<hbm>>
    %dma_start3A_92 = tpu.memref_squeeze %dma_start3A_91 : memref<1x128x128xf32, #tpu.memory_space<hbm>> -> memref<128x128xf32, #tpu.memory_space<hbm>>
    %dma_start3A_93 = arith.constant 0 : i32
    %dma_start3A_94 = tpu.memref_slice %arg4[%dma_start3A_89, %add3A_88, %dma_start3A_93] : memref<50x4096x128xf32, #tpu.memory_space<hbm>> -> memref<1x128x128xf32, #tpu.memory_space<hbm>>
    %dma_start3A_95 = tpu.memref_squeeze %dma_start3A_94 : memref<1x128x128xf32, #tpu.memory_space<hbm>> -> memref<128x128xf32, #tpu.memory_space<hbm>>
    tpu.enqueue_dma source(%arg9 : memref<128x128xf32, #tpu.memory_space<vmem>>) target(%dma_start3A_95 : memref<128x128xf32, #tpu.memory_space<hbm>>) target_semaphore(%arg19 : memref<!tpu.dma_semaphore, #tpu.memory_space<semaphore_mem>>)
    %dma_wait3A_96 = arith.constant 0 : i32
    %dma_wait3A_97 = arith.constant 0 : i32
    %dma_wait3A_98 = tpu.memref_slice %arg2[%dma_wait3A_96, %dma_wait3A_97] : memref<100000x128xf32, #tpu.memory_space<hbm>> -> memref<128x128xf32, #tpu.memory_space<hbm>>
    %dma_wait3A_99 = arith.constant 0 : i32
    %dma_wait3A_100 = arith.constant 0 : i32
    %dma_wait3A_101 = tpu.memref_slice %arg2[%dma_wait3A_99, %dma_wait3A_100] : memref<100000x128xf32, #tpu.memory_space<hbm>> -> memref<128x128xf32, #tpu.memory_space<hbm>>
    tpu.wait_dma2 semaphore(%arg16 : memref<!tpu.dma_semaphore, #tpu.memory_space<semaphore_mem>>) src(%dma_wait3A_101 : memref<128x128xf32, #tpu.memory_space<hbm>>) dst(%arg6 : memref<128x128xf32, #tpu.memory_space<vmem>>)
    %dma_start3A_102 = arith.constant 5 : i32
    %dma_start3A_103 = arith.constant 0 : i32
    %dma_start3A_104 = tpu.memref_slice %arg5[%dma_start3A_102, %dma_start3A_103] : memref<50x128xi32, #tpu.memory_space<vmem>> -> memref<1x128xi32, #tpu.memory_space<vmem>>
    %dma_start3A_105 = tpu.memref_squeeze %dma_start3A_104 : memref<1x128xi32, #tpu.memory_space<vmem>> -> memref<128xi32, #tpu.memory_space<vmem>>
    %dma_start3A_106 = arith.constant 0 : i32
    %dma_start3A_107 = arith.constant 0 : i32
    %dma_start3A_108 = tpu.memref_slice %arg2[%dma_start3A_106, %dma_start3A_107] : memref<100000x128xf32, #tpu.memory_space<hbm>> -> memref<100000x128xf32, #tpu.memory_space<hbm>>
    tpu.enqueue_indirect_dma source(%dma_start3A_108 : memref<100000x128xf32, #tpu.memory_space<hbm>>) target(%arg6 : memref<128x128xf32, #tpu.memory_space<vmem>>) offsets(%dma_start3A_105 : memref<128xi32, #tpu.memory_space<vmem>>) semaphore(%arg11 : memref<!tpu.dma_semaphore, #tpu.memory_space<semaphore_mem>>)
    %dma_wait3A_109 = arith.constant 0 : i32
    %dma_wait3A_110 = arith.constant 0 : i32
    %dma_wait3A_111 = tpu.memref_slice %arg2[%dma_wait3A_109, %dma_wait3A_110] : memref<100000x128xf32, #tpu.memory_space<hbm>> -> memref<128x128xf32, #tpu.memory_space<hbm>>
    %dma_wait3A_112 = arith.constant 0 : i32
    %dma_wait3A_113 = arith.constant 0 : i32
    %dma_wait3A_114 = tpu.memref_slice %arg2[%dma_wait3A_112, %dma_wait3A_113] : memref<100000x128xf32, #tpu.memory_space<hbm>> -> memref<128x128xf32, #tpu.memory_space<hbm>>
    tpu.wait_dma2 semaphore(%arg15 : memref<!tpu.dma_semaphore, #tpu.memory_space<semaphore_mem>>) src(%dma_wait3A_114 : memref<128x128xf32, #tpu.memory_space<hbm>>) dst(%arg10 : memref<128x128xf32, #tpu.memory_space<vmem>>)
    %add3A_115 = arith.constant 0 : i32
    %add3A_116 = arith.addi %mul3A_2, %add3A_115 : i32
    %dma_start3A_117 = arith.constant 4 : i32
    %dma_start3A_118 = arith.constant 0 : i32
    %dma_start3A_119 = tpu.memref_slice %arg4[%dma_start3A_117, %add3A_116, %dma_start3A_118] : memref<50x4096x128xf32, #tpu.memory_space<hbm>> -> memref<1x128x128xf32, #tpu.memory_space<hbm>>
    %dma_start3A_120 = tpu.memref_squeeze %dma_start3A_119 : memref<1x128x128xf32, #tpu.memory_space<hbm>> -> memref<128x128xf32, #tpu.memory_space<hbm>>
    %dma_start3A_121 = arith.constant 0 : i32
    %dma_start3A_122 = tpu.memref_slice %arg4[%dma_start3A_117, %add3A_116, %dma_start3A_121] : memref<50x4096x128xf32, #tpu.memory_space<hbm>> -> memref<1x128x128xf32, #tpu.memory_space<hbm>>
    %dma_start3A_123 = tpu.memref_squeeze %dma_start3A_122 : memref<1x128x128xf32, #tpu.memory_space<hbm>> -> memref<128x128xf32, #tpu.memory_space<hbm>>
    tpu.enqueue_dma source(%arg10 : memref<128x128xf32, #tpu.memory_space<vmem>>) target(%dma_start3A_123 : memref<128x128xf32, #tpu.memory_space<hbm>>) target_semaphore(%arg20 : memref<!tpu.dma_semaphore, #tpu.memory_space<semaphore_mem>>)
    %dma_wait3A_124 = arith.constant 0 : i32
    %dma_wait3A_125 = arith.constant 0 : i32
    %dma_wait3A_126 = tpu.memref_slice %arg2[%dma_wait3A_124, %dma_wait3A_125] : memref<100000x128xf32, #tpu.memory_space<hbm>> -> memref<128x128xf32, #tpu.memory_space<hbm>>
    %dma_wait3A_127 = arith.constant 0 : i32
    %dma_wait3A_128 = arith.constant 0 : i32
    %dma_wait3A_129 = tpu.memref_slice %arg2[%dma_wait3A_127, %dma_wait3A_128] : memref<100000x128xf32, #tpu.memory_space<hbm>> -> memref<128x128xf32, #tpu.memory_space<hbm>>
    tpu.wait_dma2 semaphore(%arg17 : memref<!tpu.dma_semaphore, #tpu.memory_space<semaphore_mem>>) src(%dma_wait3A_129 : memref<128x128xf32, #tpu.memory_space<hbm>>) dst(%arg7 : memref<128x128xf32, #tpu.memory_space<vmem>>)
    %dma_start3A_130 = arith.constant 6 : i32
    %dma_start3A_131 = arith.constant 0 : i32
    %dma_start3A_132 = tpu.memref_slice %arg5[%dma_start3A_130, %dma_start3A_131] : memref<50x128xi32, #tpu.memory_space<vmem>> -> memref<1x128xi32, #tpu.memory_space<vmem>>
    %dma_start3A_133 = tpu.memref_squeeze %dma_start3A_132 : memref<1x128xi32, #tpu.memory_space<vmem>> -> memref<128xi32, #tpu.memory_space<vmem>>
    %dma_start3A_134 = arith.constant 0 : i32
    %dma_start3A_135 = arith.constant 0 : i32
    %dma_start3A_136 = tpu.memref_slice %arg2[%dma_start3A_134, %dma_start3A_135] : memref<100000x128xf32, #tpu.memory_space<hbm>> -> memref<100000x128xf32, #tpu.memory_space<hbm>>
    tpu.enqueue_indirect_dma source(%dma_start3A_136 : memref<100000x128xf32, #tpu.memory_space<hbm>>) target(%arg7 : memref<128x128xf32, #tpu.memory_space<vmem>>) offsets(%dma_start3A_133 : memref<128xi32, #tpu.memory_space<vmem>>) semaphore(%arg12 : memref<!tpu.dma_semaphore, #tpu.memory_space<semaphore_mem>>)
    %scan3A = arith.constant 0 : i32
    %scan3A_137 = arith.constant 9 : i32
    %scan3A_138 = arith.addi %scan3A, %scan3A_137 : i32
    %scan3A_139 = arith.constant 1 : i32
    scf.for %scan3A_171 = %scan3A to %scan3A_138 step %scan3A_139  : i32 {
      %mul3A_172 = arith.constant 5 : i32
      %mul3A_173 = arith.muli %scan3A_171, %mul3A_172 : i32
      %add3A_174 = arith.constant 5 : i32
      %add3A_175 = arith.addi %add3A_174, %mul3A_173 : i32
      %add3A_176 = arith.constant 0 : i32
      %add3A_177 = arith.addi %add3A_175, %add3A_176 : i32
      %dma_wait3A_178 = arith.constant 0 : i32
      %dma_wait3A_179 = arith.constant 0 : i32
      %dma_wait3A_180 = tpu.memref_slice %arg2[%dma_wait3A_178, %dma_wait3A_179] : memref<100000x128xf32, #tpu.memory_space<hbm>> -> memref<128x128xf32, #tpu.memory_space<hbm>>
      %dma_wait3A_181 = arith.constant 0 : i32
      %dma_wait3A_182 = arith.constant 0 : i32
      %dma_wait3A_183 = tpu.memref_slice %arg2[%dma_wait3A_181, %dma_wait3A_182] : memref<100000x128xf32, #tpu.memory_space<hbm>> -> memref<128x128xf32, #tpu.memory_space<hbm>>
      tpu.wait_dma2 semaphore(%arg11 : memref<!tpu.dma_semaphore, #tpu.memory_space<semaphore_mem>>) src(%dma_wait3A_183 : memref<128x128xf32, #tpu.memory_space<hbm>>) dst(%arg6 : memref<128x128xf32, #tpu.memory_space<vmem>>)
      %jit3A = arith.constant 1 : i32
      %div3A = arith.divsi %add3A_177, %jit3A : i32
      %sign3A = arith.constant 0 : i32
      %sign3A_184 = arith.cmpi sgt, %add3A_177, %sign3A : i32
      %sign3A_185 = arith.extui %sign3A_184 : i1 to i32
      %sign3A_186 = arith.constant 0 : i32
      %sign3A_187 = arith.cmpi slt, %add3A_177, %sign3A_186 : i32
      %sign3A_188 = arith.extui %sign3A_187 : i1 to i32
      %sign3A_189 = arith.subi %sign3A_185, %sign3A_188 : i32
      %sign3A_190 = arith.constant 0 : i32
      %sign3A_191 = arith.cmpi sgt, %jit3A, %sign3A_190 : i32
      %sign3A_192 = arith.extui %sign3A_191 : i1 to i32
      %sign3A_193 = arith.constant 0 : i32
      %sign3A_194 = arith.cmpi slt, %jit3A, %sign3A_193 : i32
      %sign3A_195 = arith.extui %sign3A_194 : i1 to i32
      %sign3A_196 = arith.subi %sign3A_192, %sign3A_195 : i32
      %ne3A = arith.cmpi ne, %sign3A_189, %sign3A_196 : i32
      %rem3A = arith.remsi %add3A_177, %jit3A : i32
      %ne3A_197 = arith.constant 0 : i32
      %ne3A_198 = arith.cmpi ne, %rem3A, %ne3A_197 : i32
      %and3A = arith.andi %ne3A, %ne3A_198 : i1
      %sub3A = arith.constant 1 : i32
      %sub3A_199 = arith.subi %div3A, %sub3A : i32
      %select_n3A = arith.select %and3A, %sub3A_199, %div3A : i32
      %jit3A_200 = arith.constant 1 : i32
      %eq3A = arith.constant 0 : i32
      %eq3A_201 = arith.cmpi eq, %jit3A_200, %eq3A : i32
      %jit3A_202 = arith.constant 1 : i32
      %select_n3A_203 = arith.select %eq3A_201, %jit3A_202, %jit3A_200 : i32
      %rem3A_204 = arith.remsi %add3A_177, %select_n3A_203 : i32
      %ne3A_205 = arith.constant 0 : i32
      %ne3A_206 = arith.cmpi ne, %rem3A_204, %ne3A_205 : i32
      %lt3A = arith.constant 0 : i32
      %lt3A_207 = arith.cmpi slt, %rem3A_204, %lt3A : i32
      %lt3A_208 = arith.constant 0 : i32
      %lt3A_209 = arith.cmpi slt, %select_n3A_203, %lt3A_208 : i32
      %ne3A_210 = arith.xori %lt3A_207, %lt3A_209 : i1
      %and3A_211 = arith.andi %ne3A_210, %ne3A_206 : i1
      %add3A_212 = arith.addi %rem3A_204, %select_n3A_203 : i32
      %select_n3A_213 = arith.select %and3A_211, %add3A_212, %rem3A_204 : i32
      %mul3A_214 = arith.constant 128 : i32
      %mul3A_215 = arith.muli %select_n3A_213, %mul3A_214 : i32
      %add3A_216 = arith.addi %mul3A_2, %mul3A_215 : i32
      %dma_start3A_217 = arith.constant 0 : i32
      %dma_start3A_218 = tpu.memref_slice %arg4[%select_n3A, %add3A_216, %dma_start3A_217] : memref<50x4096x128xf32, #tpu.memory_space<hbm>> -> memref<1x128x128xf32, #tpu.memory_space<hbm>>
      %dma_start3A_219 = tpu.memref_squeeze %dma_start3A_218 : memref<1x128x128xf32, #tpu.memory_space<hbm>> -> memref<128x128xf32, #tpu.memory_space<hbm>>
      %dma_start3A_220 = arith.constant 0 : i32
      %dma_start3A_221 = tpu.memref_slice %arg4[%select_n3A, %add3A_216, %dma_start3A_220] : memref<50x4096x128xf32, #tpu.memory_space<hbm>> -> memref<1x128x128xf32, #tpu.memory_space<hbm>>
      %dma_start3A_222 = tpu.memref_squeeze %dma_start3A_221 : memref<1x128x128xf32, #tpu.memory_space<hbm>> -> memref<128x128xf32, #tpu.memory_space<hbm>>
      tpu.enqueue_dma source(%arg6 : memref<128x128xf32, #tpu.memory_space<vmem>>) target(%dma_start3A_222 : memref<128x128xf32, #tpu.memory_space<hbm>>) target_semaphore(%arg16 : memref<!tpu.dma_semaphore, #tpu.memory_space<semaphore_mem>>)
      %dma_wait3A_223 = arith.constant 0 : i32
      %dma_wait3A_224 = arith.constant 0 : i32
      %dma_wait3A_225 = tpu.memref_slice %arg2[%dma_wait3A_223, %dma_wait3A_224] : memref<100000x128xf32, #tpu.memory_space<hbm>> -> memref<128x128xf32, #tpu.memory_space<hbm>>
      %dma_wait3A_226 = arith.constant 0 : i32
      %dma_wait3A_227 = arith.constant 0 : i32
      %dma_wait3A_228 = tpu.memref_slice %arg2[%dma_wait3A_226, %dma_wait3A_227] : memref<100000x128xf32, #tpu.memory_space<hbm>> -> memref<128x128xf32, #tpu.memory_space<hbm>>
      tpu.wait_dma2 semaphore(%arg18 : memref<!tpu.dma_semaphore, #tpu.memory_space<semaphore_mem>>) src(%dma_wait3A_228 : memref<128x128xf32, #tpu.memory_space<hbm>>) dst(%arg8 : memref<128x128xf32, #tpu.memory_space<vmem>>)
      %add3A_229 = arith.constant 2 : i32
      %add3A_230 = arith.addi %add3A_177, %add3A_229 : i32
      %min3A = arith.constant 49 : i32
      %min3A_231 = arith.minsi %add3A_230, %min3A : i32
      %jit3A_232 = arith.constant 1 : i32
      %div3A_233 = arith.divsi %min3A_231, %jit3A_232 : i32
      %sign3A_234 = arith.constant 0 : i32
      %sign3A_235 = arith.cmpi sgt, %min3A_231, %sign3A_234 : i32
      %sign3A_236 = arith.extui %sign3A_235 : i1 to i32
      %sign3A_237 = arith.constant 0 : i32
      %sign3A_238 = arith.cmpi slt, %min3A_231, %sign3A_237 : i32
      %sign3A_239 = arith.extui %sign3A_238 : i1 to i32
      %sign3A_240 = arith.subi %sign3A_236, %sign3A_239 : i32
      %sign3A_241 = arith.constant 0 : i32
      %sign3A_242 = arith.cmpi sgt, %jit3A_232, %sign3A_241 : i32
      %sign3A_243 = arith.extui %sign3A_242 : i1 to i32
      %sign3A_244 = arith.constant 0 : i32
      %sign3A_245 = arith.cmpi slt, %jit3A_232, %sign3A_244 : i32
      %sign3A_246 = arith.extui %sign3A_245 : i1 to i32
      %sign3A_247 = arith.subi %sign3A_243, %sign3A_246 : i32
      %ne3A_248 = arith.cmpi ne, %sign3A_240, %sign3A_247 : i32
      %rem3A_249 = arith.remsi %min3A_231, %jit3A_232 : i32
      %ne3A_250 = arith.constant 0 : i32
      %ne3A_251 = arith.cmpi ne, %rem3A_249, %ne3A_250 : i32
      %and3A_252 = arith.andi %ne3A_248, %ne3A_251 : i1
      %sub3A_253 = arith.constant 1 : i32
      %sub3A_254 = arith.subi %div3A_233, %sub3A_253 : i32
      %select_n3A_255 = arith.select %and3A_252, %sub3A_254, %div3A_233 : i32
      %jit3A_256 = arith.constant 1 : i32
      %eq3A_257 = arith.constant 0 : i32
      %eq3A_258 = arith.cmpi eq, %jit3A_256, %eq3A_257 : i32
      %jit3A_259 = arith.constant 1 : i32
      %select_n3A_260 = arith.select %eq3A_258, %jit3A_259, %jit3A_256 : i32
      %rem3A_261 = arith.remsi %min3A_231, %select_n3A_260 : i32
      %ne3A_262 = arith.constant 0 : i32
      %ne3A_263 = arith.cmpi ne, %rem3A_261, %ne3A_262 : i32
      %lt3A_264 = arith.constant 0 : i32
      %lt3A_265 = arith.cmpi slt, %rem3A_261, %lt3A_264 : i32
      %lt3A_266 = arith.constant 0 : i32
      %lt3A_267 = arith.cmpi slt, %select_n3A_260, %lt3A_266 : i32
      %ne3A_268 = arith.xori %lt3A_265, %lt3A_267 : i1
      %and3A_269 = arith.andi %ne3A_268, %ne3A_263 : i1
      %add3A_270 = arith.addi %rem3A_261, %select_n3A_260 : i32
      %select_n3A_271 = arith.select %and3A_269, %add3A_270, %rem3A_261 : i32
      %mul3A_272 = arith.constant 128 : i32
      %mul3A_273 = arith.muli %select_n3A_271, %mul3A_272 : i32
      %dma_start3A_274 = tpu.memref_slice %arg5[%select_n3A_255, %mul3A_273] : memref<50x128xi32, #tpu.memory_space<vmem>> -> memref<1x128xi32, #tpu.memory_space<vmem>>
      %dma_start3A_275 = tpu.memref_squeeze %dma_start3A_274 : memref<1x128xi32, #tpu.memory_space<vmem>> -> memref<128xi32, #tpu.memory_space<vmem>>
      %dma_start3A_276 = arith.constant 0 : i32
      %dma_start3A_277 = arith.constant 0 : i32
      %dma_start3A_278 = tpu.memref_slice %arg2[%dma_start3A_276, %dma_start3A_277] : memref<100000x128xf32, #tpu.memory_space<hbm>> -> memref<100000x128xf32, #tpu.memory_space<hbm>>
      tpu.enqueue_indirect_dma source(%dma_start3A_278 : memref<100000x128xf32, #tpu.memory_space<hbm>>) target(%arg8 : memref<128x128xf32, #tpu.memory_space<vmem>>) offsets(%dma_start3A_275 : memref<128xi32, #tpu.memory_space<vmem>>) semaphore(%arg13 : memref<!tpu.dma_semaphore, #tpu.memory_space<semaphore_mem>>)
      %add3A_279 = arith.constant 1 : i32
      %add3A_280 = arith.addi %add3A_175, %add3A_279 : i32
      %dma_wait3A_281 = arith.constant 0 : i32
      %dma_wait3A_282 = arith.constant 0 : i32
      %dma_wait3A_283 = tpu.memref_slice %arg2[%dma_wait3A_281, %dma_wait3A_282] : memref<100000x128xf32, #tpu.memory_space<hbm>> -> memref<128x128xf32, #tpu.memory_space<hbm>>
      %dma_wait3A_284 = arith.constant 0 : i32
      %dma_wait3A_285 = arith.constant 0 : i32
      %dma_wait3A_286 = tpu.memref_slice %arg2[%dma_wait3A_284, %dma_wait3A_285] : memref<100000x128xf32, #tpu.memory_space<hbm>> -> memref<128x128xf32, #tpu.memory_space<hbm>>
      tpu.wait_dma2 semaphore(%arg12 : memref<!tpu.dma_semaphore, #tpu.memory_space<semaphore_mem>>) src(%dma_wait3A_286 : memref<128x128xf32, #tpu.memory_space<hbm>>) dst(%arg7 : memref<128x128xf32, #tpu.memory_space<vmem>>)
      %jit3A_287 = arith.constant 1 : i32
      %div3A_288 = arith.divsi %add3A_280, %jit3A_287 : i32
      %sign3A_289 = arith.constant 0 : i32
      %sign3A_290 = arith.cmpi sgt, %add3A_280, %sign3A_289 : i32
      %sign3A_291 = arith.extui %sign3A_290 : i1 to i32
      %sign3A_292 = arith.constant 0 : i32
      %sign3A_293 = arith.cmpi slt, %add3A_280, %sign3A_292 : i32
      %sign3A_294 = arith.extui %sign3A_293 : i1 to i32
      %sign3A_295 = arith.subi %sign3A_291, %sign3A_294 : i32
      %sign3A_296 = arith.constant 0 : i32
      %sign3A_297 = arith.cmpi sgt, %jit3A_287, %sign3A_296 : i32
      %sign3A_298 = arith.extui %sign3A_297 : i1 to i32
      %sign3A_299 = arith.constant 0 : i32
      %sign3A_300 = arith.cmpi slt, %jit3A_287, %sign3A_299 : i32
      %sign3A_301 = arith.extui %sign3A_300 : i1 to i32
      %sign3A_302 = arith.subi %sign3A_298, %sign3A_301 : i32
      %ne3A_303 = arith.cmpi ne, %sign3A_295, %sign3A_302 : i32
      %rem3A_304 = arith.remsi %add3A_280, %jit3A_287 : i32
      %ne3A_305 = arith.constant 0 : i32
      %ne3A_306 = arith.cmpi ne, %rem3A_304, %ne3A_305 : i32
      %and3A_307 = arith.andi %ne3A_303, %ne3A_306 : i1
      %sub3A_308 = arith.constant 1 : i32
      %sub3A_309 = arith.subi %div3A_288, %sub3A_308 : i32
      %select_n3A_310 = arith.select %and3A_307, %sub3A_309, %div3A_288 : i32
      %jit3A_311 = arith.constant 1 : i32
      %eq3A_312 = arith.constant 0 : i32
      %eq3A_313 = arith.cmpi eq, %jit3A_311, %eq3A_312 : i32
      %jit3A_314 = arith.constant 1 : i32
      %select_n3A_315 = arith.select %eq3A_313, %jit3A_314, %jit3A_311 : i32
      %rem3A_316 = arith.remsi %add3A_280, %select_n3A_315 : i32
      %ne3A_317 = arith.constant 0 : i32
      %ne3A_318 = arith.cmpi ne, %rem3A_316, %ne3A_317 : i32
      %lt3A_319 = arith.constant 0 : i32
      %lt3A_320 = arith.cmpi slt, %rem3A_316, %lt3A_319 : i32
      %lt3A_321 = arith.constant 0 : i32
      %lt3A_322 = arith.cmpi slt, %select_n3A_315, %lt3A_321 : i32
      %ne3A_323 = arith.xori %lt3A_320, %lt3A_322 : i1
      %and3A_324 = arith.andi %ne3A_323, %ne3A_318 : i1
      %add3A_325 = arith.addi %rem3A_316, %select_n3A_315 : i32
      %select_n3A_326 = arith.select %and3A_324, %add3A_325, %rem3A_316 : i32
      %mul3A_327 = arith.constant 128 : i32
      %mul3A_328 = arith.muli %select_n3A_326, %mul3A_327 : i32
      %add3A_329 = arith.addi %mul3A_2, %mul3A_328 : i32
      %dma_start3A_330 = arith.constant 0 : i32
      %dma_start3A_331 = tpu.memref_slice %arg4[%select_n3A_310, %add3A_329, %dma_start3A_330] : memref<50x4096x128xf32, #tpu.memory_space<hbm>> -> memref<1x128x128xf32, #tpu.memory_space<hbm>>
      %dma_start3A_332 = tpu.memref_squeeze %dma_start3A_331 : memref<1x128x128xf32, #tpu.memory_space<hbm>> -> memref<128x128xf32, #tpu.memory_space<hbm>>
      %dma_start3A_333 = arith.constant 0 : i32
      %dma_start3A_334 = tpu.memref_slice %arg4[%select_n3A_310, %add3A_329, %dma_start3A_333] : memref<50x4096x128xf32, #tpu.memory_space<hbm>> -> memref<1x128x128xf32, #tpu.memory_space<hbm>>
      %dma_start3A_335 = tpu.memref_squeeze %dma_start3A_334 : memref<1x128x128xf32, #tpu.memory_space<hbm>> -> memref<128x128xf32, #tpu.memory_space<hbm>>
      tpu.enqueue_dma source(%arg7 : memref<128x128xf32, #tpu.memory_space<vmem>>) target(%dma_start3A_335 : memref<128x128xf32, #tpu.memory_space<hbm>>) target_semaphore(%arg17 : memref<!tpu.dma_semaphore, #tpu.memory_space<semaphore_mem>>)
      %dma_wait3A_336 = arith.constant 0 : i32
      %dma_wait3A_337 = arith.constant 0 : i32
      %dma_wait3A_338 = tpu.memref_slice %arg2[%dma_wait3A_336, %dma_wait3A_337] : memref<100000x128xf32, #tpu.memory_space<hbm>> -> memref<128x128xf32, #tpu.memory_space<hbm>>
      %dma_wait3A_339 = arith.constant 0 : i32
      %dma_wait3A_340 = arith.constant 0 : i32
      %dma_wait3A_341 = tpu.memref_slice %arg2[%dma_wait3A_339, %dma_wait3A_340] : memref<100000x128xf32, #tpu.memory_space<hbm>> -> memref<128x128xf32, #tpu.memory_space<hbm>>
      tpu.wait_dma2 semaphore(%arg19 : memref<!tpu.dma_semaphore, #tpu.memory_space<semaphore_mem>>) src(%dma_wait3A_341 : memref<128x128xf32, #tpu.memory_space<hbm>>) dst(%arg9 : memref<128x128xf32, #tpu.memory_space<vmem>>)
      %add3A_342 = arith.constant 2 : i32
      %add3A_343 = arith.addi %add3A_280, %add3A_342 : i32
      %min3A_344 = arith.constant 49 : i32
      %min3A_345 = arith.minsi %add3A_343, %min3A_344 : i32
      %jit3A_346 = arith.constant 1 : i32
      %div3A_347 = arith.divsi %min3A_345, %jit3A_346 : i32
      %sign3A_348 = arith.constant 0 : i32
      %sign3A_349 = arith.cmpi sgt, %min3A_345, %sign3A_348 : i32
      %sign3A_350 = arith.extui %sign3A_349 : i1 to i32
      %sign3A_351 = arith.constant 0 : i32
      %sign3A_352 = arith.cmpi slt, %min3A_345, %sign3A_351 : i32
      %sign3A_353 = arith.extui %sign3A_352 : i1 to i32
      %sign3A_354 = arith.subi %sign3A_350, %sign3A_353 : i32
      %sign3A_355 = arith.constant 0 : i32
      %sign3A_356 = arith.cmpi sgt, %jit3A_346, %sign3A_355 : i32
      %sign3A_357 = arith.extui %sign3A_356 : i1 to i32
      %sign3A_358 = arith.constant 0 : i32
      %sign3A_359 = arith.cmpi slt, %jit3A_346, %sign3A_358 : i32
      %sign3A_360 = arith.extui %sign3A_359 : i1 to i32
      %sign3A_361 = arith.subi %sign3A_357, %sign3A_360 : i32
      %ne3A_362 = arith.cmpi ne, %sign3A_354, %sign3A_361 : i32
      %rem3A_363 = arith.remsi %min3A_345, %jit3A_346 : i32
      %ne3A_364 = arith.constant 0 : i32
      %ne3A_365 = arith.cmpi ne, %rem3A_363, %ne3A_364 : i32
      %and3A_366 = arith.andi %ne3A_362, %ne3A_365 : i1
      %sub3A_367 = arith.constant 1 : i32
      %sub3A_368 = arith.subi %div3A_347, %sub3A_367 : i32
      %select_n3A_369 = arith.select %and3A_366, %sub3A_368, %div3A_347 : i32
      %jit3A_370 = arith.constant 1 : i32
      %eq3A_371 = arith.constant 0 : i32
      %eq3A_372 = arith.cmpi eq, %jit3A_370, %eq3A_371 : i32
      %jit3A_373 = arith.constant 1 : i32
      %select_n3A_374 = arith.select %eq3A_372, %jit3A_373, %jit3A_370 : i32
      %rem3A_375 = arith.remsi %min3A_345, %select_n3A_374 : i32
      %ne3A_376 = arith.constant 0 : i32
      %ne3A_377 = arith.cmpi ne, %rem3A_375, %ne3A_376 : i32
      %lt3A_378 = arith.constant 0 : i32
      %lt3A_379 = arith.cmpi slt, %rem3A_375, %lt3A_378 : i32
      %lt3A_380 = arith.constant 0 : i32
      %lt3A_381 = arith.cmpi slt, %select_n3A_374, %lt3A_380 : i32
      %ne3A_382 = arith.xori %lt3A_379, %lt3A_381 : i1
      %and3A_383 = arith.andi %ne3A_382, %ne3A_377 : i1
      %add3A_384 = arith.addi %rem3A_375, %select_n3A_374 : i32
      %select_n3A_385 = arith.select %and3A_383, %add3A_384, %rem3A_375 : i32
      %mul3A_386 = arith.constant 128 : i32
      %mul3A_387 = arith.muli %select_n3A_385, %mul3A_386 : i32
      %dma_start3A_388 = tpu.memref_slice %arg5[%select_n3A_369, %mul3A_387] : memref<50x128xi32, #tpu.memory_space<vmem>> -> memref<1x128xi32, #tpu.memory_space<vmem>>
      %dma_start3A_389 = tpu.memref_squeeze %dma_start3A_388 : memref<1x128xi32, #tpu.memory_space<vmem>> -> memref<128xi32, #tpu.memory_space<vmem>>
      %dma_start3A_390 = arith.constant 0 : i32
      %dma_start3A_391 = arith.constant 0 : i32
      %dma_start3A_392 = tpu.memref_slice %arg2[%dma_start3A_390, %dma_start3A_391] : memref<100000x128xf32, #tpu.memory_space<hbm>> -> memref<100000x128xf32, #tpu.memory_space<hbm>>
      tpu.enqueue_indirect_dma source(%dma_start3A_392 : memref<100000x128xf32, #tpu.memory_space<hbm>>) target(%arg9 : memref<128x128xf32, #tpu.memory_space<vmem>>) offsets(%dma_start3A_389 : memref<128xi32, #tpu.memory_space<vmem>>) semaphore(%arg14 : memref<!tpu.dma_semaphore, #tpu.memory_space<semaphore_mem>>)
      %add3A_393 = arith.constant 2 : i32
      %add3A_394 = arith.addi %add3A_175, %add3A_393 : i32
      %dma_wait3A_395 = arith.constant 0 : i32
      %dma_wait3A_396 = arith.constant 0 : i32
      %dma_wait3A_397 = tpu.memref_slice %arg2[%dma_wait3A_395, %dma_wait3A_396] : memref<100000x128xf32, #tpu.memory_space<hbm>> -> memref<128x128xf32, #tpu.memory_space<hbm>>
      %dma_wait3A_398 = arith.constant 0 : i32
      %dma_wait3A_399 = arith.constant 0 : i32
      %dma_wait3A_400 = tpu.memref_slice %arg2[%dma_wait3A_398, %dma_wait3A_399] : memref<100000x128xf32, #tpu.memory_space<hbm>> -> memref<128x128xf32, #tpu.memory_space<hbm>>
      tpu.wait_dma2 semaphore(%arg13 : memref<!tpu.dma_semaphore, #tpu.memory_space<semaphore_mem>>) src(%dma_wait3A_400 : memref<128x128xf32, #tpu.memory_space<hbm>>) dst(%arg8 : memref<128x128xf32, #tpu.memory_space<vmem>>)
      %jit3A_401 = arith.constant 1 : i32
      %div3A_402 = arith.divsi %add3A_394, %jit3A_401 : i32
      %sign3A_403 = arith.constant 0 : i32
      %sign3A_404 = arith.cmpi sgt, %add3A_394, %sign3A_403 : i32
      %sign3A_405 = arith.extui %sign3A_404 : i1 to i32
      %sign3A_406 = arith.constant 0 : i32
      %sign3A_407 = arith.cmpi slt, %add3A_394, %sign3A_406 : i32
      %sign3A_408 = arith.extui %sign3A_407 : i1 to i32
      %sign3A_409 = arith.subi %sign3A_405, %sign3A_408 : i32
      %sign3A_410 = arith.constant 0 : i32
      %sign3A_411 = arith.cmpi sgt, %jit3A_401, %sign3A_410 : i32
      %sign3A_412 = arith.extui %sign3A_411 : i1 to i32
      %sign3A_413 = arith.constant 0 : i32
      %sign3A_414 = arith.cmpi slt, %jit3A_401, %sign3A_413 : i32
      %sign3A_415 = arith.extui %sign3A_414 : i1 to i32
      %sign3A_416 = arith.subi %sign3A_412, %sign3A_415 : i32
      %ne3A_417 = arith.cmpi ne, %sign3A_409, %sign3A_416 : i32
      %rem3A_418 = arith.remsi %add3A_394, %jit3A_401 : i32
      %ne3A_419 = arith.constant 0 : i32
      %ne3A_420 = arith.cmpi ne, %rem3A_418, %ne3A_419 : i32
      %and3A_421 = arith.andi %ne3A_417, %ne3A_420 : i1
      %sub3A_422 = arith.constant 1 : i32
      %sub3A_423 = arith.subi %div3A_402, %sub3A_422 : i32
      %select_n3A_424 = arith.select %and3A_421, %sub3A_423, %div3A_402 : i32
      %jit3A_425 = arith.constant 1 : i32
      %eq3A_426 = arith.constant 0 : i32
      %eq3A_427 = arith.cmpi eq, %jit3A_425, %eq3A_426 : i32
      %jit3A_428 = arith.constant 1 : i32
      %select_n3A_429 = arith.select %eq3A_427, %jit3A_428, %jit3A_425 : i32
      %rem3A_430 = arith.remsi %add3A_394, %select_n3A_429 : i32
      %ne3A_431 = arith.constant 0 : i32
      %ne3A_432 = arith.cmpi ne, %rem3A_430, %ne3A_431 : i32
      %lt3A_433 = arith.constant 0 : i32
      %lt3A_434 = arith.cmpi slt, %rem3A_430, %lt3A_433 : i32
      %lt3A_435 = arith.constant 0 : i32
      %lt3A_436 = arith.cmpi slt, %select_n3A_429, %lt3A_435 : i32
      %ne3A_437 = arith.xori %lt3A_434, %lt3A_436 : i1
      %and3A_438 = arith.andi %ne3A_437, %ne3A_432 : i1
      %add3A_439 = arith.addi %rem3A_430, %select_n3A_429 : i32
      %select_n3A_440 = arith.select %and3A_438, %add3A_439, %rem3A_430 : i32
      %mul3A_441 = arith.constant 128 : i32
      %mul3A_442 = arith.muli %select_n3A_440, %mul3A_441 : i32
      %add3A_443 = arith.addi %mul3A_2, %mul3A_442 : i32
      %dma_start3A_444 = arith.constant 0 : i32
      %dma_start3A_445 = tpu.memref_slice %arg4[%select_n3A_424, %add3A_443, %dma_start3A_444] : memref<50x4096x128xf32, #tpu.memory_space<hbm>> -> memref<1x128x128xf32, #tpu.memory_space<hbm>>
      %dma_start3A_446 = tpu.memref_squeeze %dma_start3A_445 : memref<1x128x128xf32, #tpu.memory_space<hbm>> -> memref<128x128xf32, #tpu.memory_space<hbm>>
      %dma_start3A_447 = arith.constant 0 : i32
      %dma_start3A_448 = tpu.memref_slice %arg4[%select_n3A_424, %add3A_443, %dma_start3A_447] : memref<50x4096x128xf32, #tpu.memory_space<hbm>> -> memref<1x128x128xf32, #tpu.memory_space<hbm>>
      %dma_start3A_449 = tpu.memref_squeeze %dma_start3A_448 : memref<1x128x128xf32, #tpu.memory_space<hbm>> -> memref<128x128xf32, #tpu.memory_space<hbm>>
      tpu.enqueue_dma source(%arg8 : memref<128x128xf32, #tpu.memory_space<vmem>>) target(%dma_start3A_449 : memref<128x128xf32, #tpu.memory_space<hbm>>) target_semaphore(%arg18 : memref<!tpu.dma_semaphore, #tpu.memory_space<semaphore_mem>>)
      %dma_wait3A_450 = arith.constant 0 : i32
      %dma_wait3A_451 = arith.constant 0 : i32
      %dma_wait3A_452 = tpu.memref_slice %arg2[%dma_wait3A_450, %dma_wait3A_451] : memref<100000x128xf32, #tpu.memory_space<hbm>> -> memref<128x128xf32, #tpu.memory_space<hbm>>
      %dma_wait3A_453 = arith.constant 0 : i32
      %dma_wait3A_454 = arith.constant 0 : i32
      %dma_wait3A_455 = tpu.memref_slice %arg2[%dma_wait3A_453, %dma_wait3A_454] : memref<100000x128xf32, #tpu.memory_space<hbm>> -> memref<128x128xf32, #tpu.memory_space<hbm>>
      tpu.wait_dma2 semaphore(%arg20 : memref<!tpu.dma_semaphore, #tpu.memory_space<semaphore_mem>>) src(%dma_wait3A_455 : memref<128x128xf32, #tpu.memory_space<hbm>>) dst(%arg10 : memref<128x128xf32, #tpu.memory_space<vmem>>)
      %add3A_456 = arith.constant 2 : i32
      %add3A_457 = arith.addi %add3A_394, %add3A_456 : i32
      %min3A_458 = arith.constant 49 : i32
      %min3A_459 = arith.minsi %add3A_457, %min3A_458 : i32
      %jit3A_460 = arith.constant 1 : i32
      %div3A_461 = arith.divsi %min3A_459, %jit3A_460 : i32
      %sign3A_462 = arith.constant 0 : i32
      %sign3A_463 = arith.cmpi sgt, %min3A_459, %sign3A_462 : i32
      %sign3A_464 = arith.extui %sign3A_463 : i1 to i32
      %sign3A_465 = arith.constant 0 : i32
      %sign3A_466 = arith.cmpi slt, %min3A_459, %sign3A_465 : i32
      %sign3A_467 = arith.extui %sign3A_466 : i1 to i32
      %sign3A_468 = arith.subi %sign3A_464, %sign3A_467 : i32
      %sign3A_469 = arith.constant 0 : i32
      %sign3A_470 = arith.cmpi sgt, %jit3A_460, %sign3A_469 : i32
      %sign3A_471 = arith.extui %sign3A_470 : i1 to i32
      %sign3A_472 = arith.constant 0 : i32
      %sign3A_473 = arith.cmpi slt, %jit3A_460, %sign3A_472 : i32
      %sign3A_474 = arith.extui %sign3A_473 : i1 to i32
      %sign3A_475 = arith.subi %sign3A_471, %sign3A_474 : i32
      %ne3A_476 = arith.cmpi ne, %sign3A_468, %sign3A_475 : i32
      %rem3A_477 = arith.remsi %min3A_459, %jit3A_460 : i32
      %ne3A_478 = arith.constant 0 : i32
      %ne3A_479 = arith.cmpi ne, %rem3A_477, %ne3A_478 : i32
      %and3A_480 = arith.andi %ne3A_476, %ne3A_479 : i1
      %sub3A_481 = arith.constant 1 : i32
      %sub3A_482 = arith.subi %div3A_461, %sub3A_481 : i32
      %select_n3A_483 = arith.select %and3A_480, %sub3A_482, %div3A_461 : i32
      %jit3A_484 = arith.constant 1 : i32
      %eq3A_485 = arith.constant 0 : i32
      %eq3A_486 = arith.cmpi eq, %jit3A_484, %eq3A_485 : i32
      %jit3A_487 = arith.constant 1 : i32
      %select_n3A_488 = arith.select %eq3A_486, %jit3A_487, %jit3A_484 : i32
      %rem3A_489 = arith.remsi %min3A_459, %select_n3A_488 : i32
      %ne3A_490 = arith.constant 0 : i32
      %ne3A_491 = arith.cmpi ne, %rem3A_489, %ne3A_490 : i32
      %lt3A_492 = arith.constant 0 : i32
      %lt3A_493 = arith.cmpi slt, %rem3A_489, %lt3A_492 : i32
      %lt3A_494 = arith.constant 0 : i32
      %lt3A_495 = arith.cmpi slt, %select_n3A_488, %lt3A_494 : i32
      %ne3A_496 = arith.xori %lt3A_493, %lt3A_495 : i1
      %and3A_497 = arith.andi %ne3A_496, %ne3A_491 : i1
      %add3A_498 = arith.addi %rem3A_489, %select_n3A_488 : i32
      %select_n3A_499 = arith.select %and3A_497, %add3A_498, %rem3A_489 : i32
      %mul3A_500 = arith.constant 128 : i32
      %mul3A_501 = arith.muli %select_n3A_499, %mul3A_500 : i32
      %dma_start3A_502 = tpu.memref_slice %arg5[%select_n3A_483, %mul3A_501] : memref<50x128xi32, #tpu.memory_space<vmem>> -> memref<1x128xi32, #tpu.memory_space<vmem>>
      %dma_start3A_503 = tpu.memref_squeeze %dma_start3A_502 : memref<1x128xi32, #tpu.memory_space<vmem>> -> memref<128xi32, #tpu.memory_space<vmem>>
      %dma_start3A_504 = arith.constant 0 : i32
      %dma_start3A_505 = arith.constant 0 : i32
      %dma_start3A_506 = tpu.memref_slice %arg2[%dma_start3A_504, %dma_start3A_505] : memref<100000x128xf32, #tpu.memory_space<hbm>> -> memref<100000x128xf32, #tpu.memory_space<hbm>>
      tpu.enqueue_indirect_dma source(%dma_start3A_506 : memref<100000x128xf32, #tpu.memory_space<hbm>>) target(%arg10 : memref<128x128xf32, #tpu.memory_space<vmem>>) offsets(%dma_start3A_503 : memref<128xi32, #tpu.memory_space<vmem>>) semaphore(%arg15 : memref<!tpu.dma_semaphore, #tpu.memory_space<semaphore_mem>>)
      %add3A_507 = arith.constant 3 : i32
      %add3A_508 = arith.addi %add3A_175, %add3A_507 : i32
      %dma_wait3A_509 = arith.constant 0 : i32
      %dma_wait3A_510 = arith.constant 0 : i32
      %dma_wait3A_511 = tpu.memref_slice %arg2[%dma_wait3A_509, %dma_wait3A_510] : memref<100000x128xf32, #tpu.memory_space<hbm>> -> memref<128x128xf32, #tpu.memory_space<hbm>>
      %dma_wait3A_512 = arith.constant 0 : i32
      %dma_wait3A_513 = arith.constant 0 : i32
      %dma_wait3A_514 = tpu.memref_slice %arg2[%dma_wait3A_512, %dma_wait3A_513] : memref<100000x128xf32, #tpu.memory_space<hbm>> -> memref<128x128xf32, #tpu.memory_space<hbm>>
      tpu.wait_dma2 semaphore(%arg14 : memref<!tpu.dma_semaphore, #tpu.memory_space<semaphore_mem>>) src(%dma_wait3A_514 : memref<128x128xf32, #tpu.memory_space<hbm>>) dst(%arg9 : memref<128x128xf32, #tpu.memory_space<vmem>>)
      %jit3A_515 = arith.constant 1 : i32
      %div3A_516 = arith.divsi %add3A_508, %jit3A_515 : i32
      %sign3A_517 = arith.constant 0 : i32
      %sign3A_518 = arith.cmpi sgt, %add3A_508, %sign3A_517 : i32
      %sign3A_519 = arith.extui %sign3A_518 : i1 to i32
      %sign3A_520 = arith.constant 0 : i32
      %sign3A_521 = arith.cmpi slt, %add3A_508, %sign3A_520 : i32
      %sign3A_522 = arith.extui %sign3A_521 : i1 to i32
      %sign3A_523 = arith.subi %sign3A_519, %sign3A_522 : i32
      %sign3A_524 = arith.constant 0 : i32
      %sign3A_525 = arith.cmpi sgt, %jit3A_515, %sign3A_524 : i32
      %sign3A_526 = arith.extui %sign3A_525 : i1 to i32
      %sign3A_527 = arith.constant 0 : i32
      %sign3A_528 = arith.cmpi slt, %jit3A_515, %sign3A_527 : i32
      %sign3A_529 = arith.extui %sign3A_528 : i1 to i32
      %sign3A_530 = arith.subi %sign3A_526, %sign3A_529 : i32
      %ne3A_531 = arith.cmpi ne, %sign3A_523, %sign3A_530 : i32
      %rem3A_532 = arith.remsi %add3A_508, %jit3A_515 : i32
      %ne3A_533 = arith.constant 0 : i32
      %ne3A_534 = arith.cmpi ne, %rem3A_532, %ne3A_533 : i32
      %and3A_535 = arith.andi %ne3A_531, %ne3A_534 : i1
      %sub3A_536 = arith.constant 1 : i32
      %sub3A_537 = arith.subi %div3A_516, %sub3A_536 : i32
      %select_n3A_538 = arith.select %and3A_535, %sub3A_537, %div3A_516 : i32
      %jit3A_539 = arith.constant 1 : i32
      %eq3A_540 = arith.constant 0 : i32
      %eq3A_541 = arith.cmpi eq, %jit3A_539, %eq3A_540 : i32
      %jit3A_542 = arith.constant 1 : i32
      %select_n3A_543 = arith.select %eq3A_541, %jit3A_542, %jit3A_539 : i32
      %rem3A_544 = arith.remsi %add3A_508, %select_n3A_543 : i32
      %ne3A_545 = arith.constant 0 : i32
      %ne3A_546 = arith.cmpi ne, %rem3A_544, %ne3A_545 : i32
      %lt3A_547 = arith.constant 0 : i32
      %lt3A_548 = arith.cmpi slt, %rem3A_544, %lt3A_547 : i32
      %lt3A_549 = arith.constant 0 : i32
      %lt3A_550 = arith.cmpi slt, %select_n3A_543, %lt3A_549 : i32
      %ne3A_551 = arith.xori %lt3A_548, %lt3A_550 : i1
      %and3A_552 = arith.andi %ne3A_551, %ne3A_546 : i1
      %add3A_553 = arith.addi %rem3A_544, %select_n3A_543 : i32
      %select_n3A_554 = arith.select %and3A_552, %add3A_553, %rem3A_544 : i32
      %mul3A_555 = arith.constant 128 : i32
      %mul3A_556 = arith.muli %select_n3A_554, %mul3A_555 : i32
      %add3A_557 = arith.addi %mul3A_2, %mul3A_556 : i32
      %dma_start3A_558 = arith.constant 0 : i32
      %dma_start3A_559 = tpu.memref_slice %arg4[%select_n3A_538, %add3A_557, %dma_start3A_558] : memref<50x4096x128xf32, #tpu.memory_space<hbm>> -> memref<1x128x128xf32, #tpu.memory_space<hbm>>
      %dma_start3A_560 = tpu.memref_squeeze %dma_start3A_559 : memref<1x128x128xf32, #tpu.memory_space<hbm>> -> memref<128x128xf32, #tpu.memory_space<hbm>>
      %dma_start3A_561 = arith.constant 0 : i32
      %dma_start3A_562 = tpu.memref_slice %arg4[%select_n3A_538, %add3A_557, %dma_start3A_561] : memref<50x4096x128xf32, #tpu.memory_space<hbm>> -> memref<1x128x128xf32, #tpu.memory_space<hbm>>
      %dma_start3A_563 = tpu.memref_squeeze %dma_start3A_562 : memref<1x128x128xf32, #tpu.memory_space<hbm>> -> memref<128x128xf32, #tpu.memory_space<hbm>>
      tpu.enqueue_dma source(%arg9 : memref<128x128xf32, #tpu.memory_space<vmem>>) target(%dma_start3A_563 : memref<128x128xf32, #tpu.memory_space<hbm>>) target_semaphore(%arg19 : memref<!tpu.dma_semaphore, #tpu.memory_space<semaphore_mem>>)
      %dma_wait3A_564 = arith.constant 0 : i32
      %dma_wait3A_565 = arith.constant 0 : i32
      %dma_wait3A_566 = tpu.memref_slice %arg2[%dma_wait3A_564, %dma_wait3A_565] : memref<100000x128xf32, #tpu.memory_space<hbm>> -> memref<128x128xf32, #tpu.memory_space<hbm>>
      %dma_wait3A_567 = arith.constant 0 : i32
      %dma_wait3A_568 = arith.constant 0 : i32
      %dma_wait3A_569 = tpu.memref_slice %arg2[%dma_wait3A_567, %dma_wait3A_568] : memref<100000x128xf32, #tpu.memory_space<hbm>> -> memref<128x128xf32, #tpu.memory_space<hbm>>
      tpu.wait_dma2 semaphore(%arg16 : memref<!tpu.dma_semaphore, #tpu.memory_space<semaphore_mem>>) src(%dma_wait3A_569 : memref<128x128xf32, #tpu.memory_space<hbm>>) dst(%arg6 : memref<128x128xf32, #tpu.memory_space<vmem>>)
      %add3A_570 = arith.constant 2 : i32
      %add3A_571 = arith.addi %add3A_508, %add3A_570 : i32
      %min3A_572 = arith.constant 49 : i32
      %min3A_573 = arith.minsi %add3A_571, %min3A_572 : i32
      %jit3A_574 = arith.constant 1 : i32
      %div3A_575 = arith.divsi %min3A_573, %jit3A_574 : i32
      %sign3A_576 = arith.constant 0 : i32
      %sign3A_577 = arith.cmpi sgt, %min3A_573, %sign3A_576 : i32
      %sign3A_578 = arith.extui %sign3A_577 : i1 to i32
      %sign3A_579 = arith.constant 0 : i32
      %sign3A_580 = arith.cmpi slt, %min3A_573, %sign3A_579 : i32
      %sign3A_581 = arith.extui %sign3A_580 : i1 to i32
      %sign3A_582 = arith.subi %sign3A_578, %sign3A_581 : i32
      %sign3A_583 = arith.constant 0 : i32
      %sign3A_584 = arith.cmpi sgt, %jit3A_574, %sign3A_583 : i32
      %sign3A_585 = arith.extui %sign3A_584 : i1 to i32
      %sign3A_586 = arith.constant 0 : i32
      %sign3A_587 = arith.cmpi slt, %jit3A_574, %sign3A_586 : i32
      %sign3A_588 = arith.extui %sign3A_587 : i1 to i32
      %sign3A_589 = arith.subi %sign3A_585, %sign3A_588 : i32
      %ne3A_590 = arith.cmpi ne, %sign3A_582, %sign3A_589 : i32
      %rem3A_591 = arith.remsi %min3A_573, %jit3A_574 : i32
      %ne3A_592 = arith.constant 0 : i32
      %ne3A_593 = arith.cmpi ne, %rem3A_591, %ne3A_592 : i32
      %and3A_594 = arith.andi %ne3A_590, %ne3A_593 : i1
      %sub3A_595 = arith.constant 1 : i32
      %sub3A_596 = arith.subi %div3A_575, %sub3A_595 : i32
      %select_n3A_597 = arith.select %and3A_594, %sub3A_596, %div3A_575 : i32
      %jit3A_598 = arith.constant 1 : i32
      %eq3A_599 = arith.constant 0 : i32
      %eq3A_600 = arith.cmpi eq, %jit3A_598, %eq3A_599 : i32
      %jit3A_601 = arith.constant 1 : i32
      %select_n3A_602 = arith.select %eq3A_600, %jit3A_601, %jit3A_598 : i32
      %rem3A_603 = arith.remsi %min3A_573, %select_n3A_602 : i32
      %ne3A_604 = arith.constant 0 : i32
      %ne3A_605 = arith.cmpi ne, %rem3A_603, %ne3A_604 : i32
      %lt3A_606 = arith.constant 0 : i32
      %lt3A_607 = arith.cmpi slt, %rem3A_603, %lt3A_606 : i32
      %lt3A_608 = arith.constant 0 : i32
      %lt3A_609 = arith.cmpi slt, %select_n3A_602, %lt3A_608 : i32
      %ne3A_610 = arith.xori %lt3A_607, %lt3A_609 : i1
      %and3A_611 = arith.andi %ne3A_610, %ne3A_605 : i1
      %add3A_612 = arith.addi %rem3A_603, %select_n3A_602 : i32
      %select_n3A_613 = arith.select %and3A_611, %add3A_612, %rem3A_603 : i32
      %mul3A_614 = arith.constant 128 : i32
      %mul3A_615 = arith.muli %select_n3A_613, %mul3A_614 : i32
      %dma_start3A_616 = tpu.memref_slice %arg5[%select_n3A_597, %mul3A_615] : memref<50x128xi32, #tpu.memory_space<vmem>> -> memref<1x128xi32, #tpu.memory_space<vmem>>
      %dma_start3A_617 = tpu.memref_squeeze %dma_start3A_616 : memref<1x128xi32, #tpu.memory_space<vmem>> -> memref<128xi32, #tpu.memory_space<vmem>>
      %dma_start3A_618 = arith.constant 0 : i32
      %dma_start3A_619 = arith.constant 0 : i32
      %dma_start3A_620 = tpu.memref_slice %arg2[%dma_start3A_618, %dma_start3A_619] : memref<100000x128xf32, #tpu.memory_space<hbm>> -> memref<100000x128xf32, #tpu.memory_space<hbm>>
      tpu.enqueue_indirect_dma source(%dma_start3A_620 : memref<100000x128xf32, #tpu.memory_space<hbm>>) target(%arg6 : memref<128x128xf32, #tpu.memory_space<vmem>>) offsets(%dma_start3A_617 : memref<128xi32, #tpu.memory_space<vmem>>) semaphore(%arg11 : memref<!tpu.dma_semaphore, #tpu.memory_space<semaphore_mem>>)
      %add3A_621 = arith.constant 4 : i32
      %add3A_622 = arith.addi %add3A_175, %add3A_621 : i32
      %dma_wait3A_623 = arith.constant 0 : i32
      %dma_wait3A_624 = arith.constant 0 : i32
      %dma_wait3A_625 = tpu.memref_slice %arg2[%dma_wait3A_623, %dma_wait3A_624] : memref<100000x128xf32, #tpu.memory_space<hbm>> -> memref<128x128xf32, #tpu.memory_space<hbm>>
      %dma_wait3A_626 = arith.constant 0 : i32
      %dma_wait3A_627 = arith.constant 0 : i32
      %dma_wait3A_628 = tpu.memref_slice %arg2[%dma_wait3A_626, %dma_wait3A_627] : memref<100000x128xf32, #tpu.memory_space<hbm>> -> memref<128x128xf32, #tpu.memory_space<hbm>>
      tpu.wait_dma2 semaphore(%arg15 : memref<!tpu.dma_semaphore, #tpu.memory_space<semaphore_mem>>) src(%dma_wait3A_628 : memref<128x128xf32, #tpu.memory_space<hbm>>) dst(%arg10 : memref<128x128xf32, #tpu.memory_space<vmem>>)
      %jit3A_629 = arith.constant 1 : i32
      %div3A_630 = arith.divsi %add3A_622, %jit3A_629 : i32
      %sign3A_631 = arith.constant 0 : i32
      %sign3A_632 = arith.cmpi sgt, %add3A_622, %sign3A_631 : i32
      %sign3A_633 = arith.extui %sign3A_632 : i1 to i32
      %sign3A_634 = arith.constant 0 : i32
      %sign3A_635 = arith.cmpi slt, %add3A_622, %sign3A_634 : i32
      %sign3A_636 = arith.extui %sign3A_635 : i1 to i32
      %sign3A_637 = arith.subi %sign3A_633, %sign3A_636 : i32
      %sign3A_638 = arith.constant 0 : i32
      %sign3A_639 = arith.cmpi sgt, %jit3A_629, %sign3A_638 : i32
      %sign3A_640 = arith.extui %sign3A_639 : i1 to i32
      %sign3A_641 = arith.constant 0 : i32
      %sign3A_642 = arith.cmpi slt, %jit3A_629, %sign3A_641 : i32
      %sign3A_643 = arith.extui %sign3A_642 : i1 to i32
      %sign3A_644 = arith.subi %sign3A_640, %sign3A_643 : i32
      %ne3A_645 = arith.cmpi ne, %sign3A_637, %sign3A_644 : i32
      %rem3A_646 = arith.remsi %add3A_622, %jit3A_629 : i32
      %ne3A_647 = arith.constant 0 : i32
      %ne3A_648 = arith.cmpi ne, %rem3A_646, %ne3A_647 : i32
      %and3A_649 = arith.andi %ne3A_645, %ne3A_648 : i1
      %sub3A_650 = arith.constant 1 : i32
      %sub3A_651 = arith.subi %div3A_630, %sub3A_650 : i32
      %select_n3A_652 = arith.select %and3A_649, %sub3A_651, %div3A_630 : i32
      %jit3A_653 = arith.constant 1 : i32
      %eq3A_654 = arith.constant 0 : i32
      %eq3A_655 = arith.cmpi eq, %jit3A_653, %eq3A_654 : i32
      %jit3A_656 = arith.constant 1 : i32
      %select_n3A_657 = arith.select %eq3A_655, %jit3A_656, %jit3A_653 : i32
      %rem3A_658 = arith.remsi %add3A_622, %select_n3A_657 : i32
      %ne3A_659 = arith.constant 0 : i32
      %ne3A_660 = arith.cmpi ne, %rem3A_658, %ne3A_659 : i32
      %lt3A_661 = arith.constant 0 : i32
      %lt3A_662 = arith.cmpi slt, %rem3A_658, %lt3A_661 : i32
      %lt3A_663 = arith.constant 0 : i32
      %lt3A_664 = arith.cmpi slt, %select_n3A_657, %lt3A_663 : i32
      %ne3A_665 = arith.xori %lt3A_662, %lt3A_664 : i1
      %and3A_666 = arith.andi %ne3A_665, %ne3A_660 : i1
      %add3A_667 = arith.addi %rem3A_658, %select_n3A_657 : i32
      %select_n3A_668 = arith.select %and3A_666, %add3A_667, %rem3A_658 : i32
      %mul3A_669 = arith.constant 128 : i32
      %mul3A_670 = arith.muli %select_n3A_668, %mul3A_669 : i32
      %add3A_671 = arith.addi %mul3A_2, %mul3A_670 : i32
      %dma_start3A_672 = arith.constant 0 : i32
      %dma_start3A_673 = tpu.memref_slice %arg4[%select_n3A_652, %add3A_671, %dma_start3A_672] : memref<50x4096x128xf32, #tpu.memory_space<hbm>> -> memref<1x128x128xf32, #tpu.memory_space<hbm>>
      %dma_start3A_674 = tpu.memref_squeeze %dma_start3A_673 : memref<1x128x128xf32, #tpu.memory_space<hbm>> -> memref<128x128xf32, #tpu.memory_space<hbm>>
      %dma_start3A_675 = arith.constant 0 : i32
      %dma_start3A_676 = tpu.memref_slice %arg4[%select_n3A_652, %add3A_671, %dma_start3A_675] : memref<50x4096x128xf32, #tpu.memory_space<hbm>> -> memref<1x128x128xf32, #tpu.memory_space<hbm>>
      %dma_start3A_677 = tpu.memref_squeeze %dma_start3A_676 : memref<1x128x128xf32, #tpu.memory_space<hbm>> -> memref<128x128xf32, #tpu.memory_space<hbm>>
      tpu.enqueue_dma source(%arg10 : memref<128x128xf32, #tpu.memory_space<vmem>>) target(%dma_start3A_677 : memref<128x128xf32, #tpu.memory_space<hbm>>) target_semaphore(%arg20 : memref<!tpu.dma_semaphore, #tpu.memory_space<semaphore_mem>>)
      %dma_wait3A_678 = arith.constant 0 : i32
      %dma_wait3A_679 = arith.constant 0 : i32
      %dma_wait3A_680 = tpu.memref_slice %arg2[%dma_wait3A_678, %dma_wait3A_679] : memref<100000x128xf32, #tpu.memory_space<hbm>> -> memref<128x128xf32, #tpu.memory_space<hbm>>
      %dma_wait3A_681 = arith.constant 0 : i32
      %dma_wait3A_682 = arith.constant 0 : i32
      %dma_wait3A_683 = tpu.memref_slice %arg2[%dma_wait3A_681, %dma_wait3A_682] : memref<100000x128xf32, #tpu.memory_space<hbm>> -> memref<128x128xf32, #tpu.memory_space<hbm>>
      tpu.wait_dma2 semaphore(%arg17 : memref<!tpu.dma_semaphore, #tpu.memory_space<semaphore_mem>>) src(%dma_wait3A_683 : memref<128x128xf32, #tpu.memory_space<hbm>>) dst(%arg7 : memref<128x128xf32, #tpu.memory_space<vmem>>)
      %add3A_684 = arith.constant 2 : i32
      %add3A_685 = arith.addi %add3A_622, %add3A_684 : i32
      %min3A_686 = arith.constant 49 : i32
      %min3A_687 = arith.minsi %add3A_685, %min3A_686 : i32
      %jit3A_688 = arith.constant 1 : i32
      %div3A_689 = arith.divsi %min3A_687, %jit3A_688 : i32
      %sign3A_690 = arith.constant 0 : i32
      %sign3A_691 = arith.cmpi sgt, %min3A_687, %sign3A_690 : i32
      %sign3A_692 = arith.extui %sign3A_691 : i1 to i32
      %sign3A_693 = arith.constant 0 : i32
      %sign3A_694 = arith.cmpi slt, %min3A_687, %sign3A_693 : i32
      %sign3A_695 = arith.extui %sign3A_694 : i1 to i32
      %sign3A_696 = arith.subi %sign3A_692, %sign3A_695 : i32
      %sign3A_697 = arith.constant 0 : i32
      %sign3A_698 = arith.cmpi sgt, %jit3A_688, %sign3A_697 : i32
      %sign3A_699 = arith.extui %sign3A_698 : i1 to i32
      %sign3A_700 = arith.constant 0 : i32
      %sign3A_701 = arith.cmpi slt, %jit3A_688, %sign3A_700 : i32
      %sign3A_702 = arith.extui %sign3A_701 : i1 to i32
      %sign3A_703 = arith.subi %sign3A_699, %sign3A_702 : i32
      %ne3A_704 = arith.cmpi ne, %sign3A_696, %sign3A_703 : i32
      %rem3A_705 = arith.remsi %min3A_687, %jit3A_688 : i32
      %ne3A_706 = arith.constant 0 : i32
      %ne3A_707 = arith.cmpi ne, %rem3A_705, %ne3A_706 : i32
      %and3A_708 = arith.andi %ne3A_704, %ne3A_707 : i1
      %sub3A_709 = arith.constant 1 : i32
      %sub3A_710 = arith.subi %div3A_689, %sub3A_709 : i32
      %select_n3A_711 = arith.select %and3A_708, %sub3A_710, %div3A_689 : i32
      %jit3A_712 = arith.constant 1 : i32
      %eq3A_713 = arith.constant 0 : i32
      %eq3A_714 = arith.cmpi eq, %jit3A_712, %eq3A_713 : i32
      %jit3A_715 = arith.constant 1 : i32
      %select_n3A_716 = arith.select %eq3A_714, %jit3A_715, %jit3A_712 : i32
      %rem3A_717 = arith.remsi %min3A_687, %select_n3A_716 : i32
      %ne3A_718 = arith.constant 0 : i32
      %ne3A_719 = arith.cmpi ne, %rem3A_717, %ne3A_718 : i32
      %lt3A_720 = arith.constant 0 : i32
      %lt3A_721 = arith.cmpi slt, %rem3A_717, %lt3A_720 : i32
      %lt3A_722 = arith.constant 0 : i32
      %lt3A_723 = arith.cmpi slt, %select_n3A_716, %lt3A_722 : i32
      %ne3A_724 = arith.xori %lt3A_721, %lt3A_723 : i1
      %and3A_725 = arith.andi %ne3A_724, %ne3A_719 : i1
      %add3A_726 = arith.addi %rem3A_717, %select_n3A_716 : i32
      %select_n3A_727 = arith.select %and3A_725, %add3A_726, %rem3A_717 : i32
      %mul3A_728 = arith.constant 128 : i32
      %mul3A_729 = arith.muli %select_n3A_727, %mul3A_728 : i32
      %dma_start3A_730 = tpu.memref_slice %arg5[%select_n3A_711, %mul3A_729] : memref<50x128xi32, #tpu.memory_space<vmem>> -> memref<1x128xi32, #tpu.memory_space<vmem>>
      %dma_start3A_731 = tpu.memref_squeeze %dma_start3A_730 : memref<1x128xi32, #tpu.memory_space<vmem>> -> memref<128xi32, #tpu.memory_space<vmem>>
      %dma_start3A_732 = arith.constant 0 : i32
      %dma_start3A_733 = arith.constant 0 : i32
      %dma_start3A_734 = tpu.memref_slice %arg2[%dma_start3A_732, %dma_start3A_733] : memref<100000x128xf32, #tpu.memory_space<hbm>> -> memref<100000x128xf32, #tpu.memory_space<hbm>>
      tpu.enqueue_indirect_dma source(%dma_start3A_734 : memref<100000x128xf32, #tpu.memory_space<hbm>>) target(%arg7 : memref<128x128xf32, #tpu.memory_space<vmem>>) offsets(%dma_start3A_731 : memref<128xi32, #tpu.memory_space<vmem>>) semaphore(%arg12 : memref<!tpu.dma_semaphore, #tpu.memory_space<semaphore_mem>>)
    }
    %scan3A_140 = arith.constant 9 : i32
    %dma_wait3A_141 = arith.constant 0 : i32
    %dma_wait3A_142 = arith.constant 0 : i32
    %dma_wait3A_143 = tpu.memref_slice %arg2[%dma_wait3A_141, %dma_wait3A_142] : memref<100000x128xf32, #tpu.memory_space<hbm>> -> memref<128x128xf32, #tpu.memory_space<hbm>>
    %dma_wait3A_144 = arith.constant 0 : i32
    %dma_wait3A_145 = arith.constant 0 : i32
    %dma_wait3A_146 = tpu.memref_slice %arg2[%dma_wait3A_144, %dma_wait3A_145] : memref<100000x128xf32, #tpu.memory_space<hbm>> -> memref<128x128xf32, #tpu.memory_space<hbm>>
    tpu.wait_dma2 semaphore(%arg11 : memref<!tpu.dma_semaphore, #tpu.memory_space<semaphore_mem>>) src(%dma_wait3A_146 : memref<128x128xf32, #tpu.memory_space<hbm>>) dst(%arg6 : memref<128x128xf32, #tpu.memory_space<vmem>>)
    %dma_wait3A_147 = arith.constant 0 : i32
    %dma_wait3A_148 = arith.constant 0 : i32
    %dma_wait3A_149 = tpu.memref_slice %arg2[%dma_wait3A_147, %dma_wait3A_148] : memref<100000x128xf32, #tpu.memory_space<hbm>> -> memref<128x128xf32, #tpu.memory_space<hbm>>
    %dma_wait3A_150 = arith.constant 0 : i32
    %dma_wait3A_151 = arith.constant 0 : i32
    %dma_wait3A_152 = tpu.memref_slice %arg2[%dma_wait3A_150, %dma_wait3A_151] : memref<100000x128xf32, #tpu.memory_space<hbm>> -> memref<128x128xf32, #tpu.memory_space<hbm>>
    tpu.wait_dma2 semaphore(%arg12 : memref<!tpu.dma_semaphore, #tpu.memory_space<semaphore_mem>>) src(%dma_wait3A_152 : memref<128x128xf32, #tpu.memory_space<hbm>>) dst(%arg7 : memref<128x128xf32, #tpu.memory_space<vmem>>)
    %dma_wait3A_153 = arith.constant 0 : i32
    %dma_wait3A_154 = arith.constant 0 : i32
    %dma_wait3A_155 = tpu.memref_slice %arg2[%dma_wait3A_153, %dma_wait3A_154] : memref<100000x128xf32, #tpu.memory_space<hbm>> -> memref<128x128xf32, #tpu.memory_space<hbm>>
    %dma_wait3A_156 = arith.constant 0 : i32
    %dma_wait3A_157 = arith.constant 0 : i32
    %dma_wait3A_158 = tpu.memref_slice %arg2[%dma_wait3A_156, %dma_wait3A_157] : memref<100000x128xf32, #tpu.memory_space<hbm>> -> memref<128x128xf32, #tpu.memory_space<hbm>>
    tpu.wait_dma2 semaphore(%arg18 : memref<!tpu.dma_semaphore, #tpu.memory_space<semaphore_mem>>) src(%dma_wait3A_158 : memref<128x128xf32, #tpu.memory_space<hbm>>) dst(%arg8 : memref<128x128xf32, #tpu.memory_space<vmem>>)
    %dma_wait3A_159 = arith.constant 0 : i32
    %dma_wait3A_160 = arith.constant 0 : i32
    %dma_wait3A_161 = tpu.memref_slice %arg2[%dma_wait3A_159, %dma_wait3A_160] : memref<100000x128xf32, #tpu.memory_space<hbm>> -> memref<128x128xf32, #tpu.memory_space<hbm>>
    %dma_wait3A_162 = arith.constant 0 : i32
    %dma_wait3A_163 = arith.constant 0 : i32
    %dma_wait3A_164 = tpu.memref_slice %arg2[%dma_wait3A_162, %dma_wait3A_163] : memref<100000x128xf32, #tpu.memory_space<hbm>> -> memref<128x128xf32, #tpu.memory_space<hbm>>
    tpu.wait_dma2 semaphore(%arg19 : memref<!tpu.dma_semaphore, #tpu.memory_space<semaphore_mem>>) src(%dma_wait3A_164 : memref<128x128xf32, #tpu.memory_space<hbm>>) dst(%arg9 : memref<128x128xf32, #tpu.memory_space<vmem>>)
    %dma_wait3A_165 = arith.constant 0 : i32
    %dma_wait3A_166 = arith.constant 0 : i32
    %dma_wait3A_167 = tpu.memref_slice %arg2[%dma_wait3A_165, %dma_wait3A_166] : memref<100000x128xf32, #tpu.memory_space<hbm>> -> memref<128x128xf32, #tpu.memory_space<hbm>>
    %dma_wait3A_168 = arith.constant 0 : i32
    %dma_wait3A_169 = arith.constant 0 : i32
    %dma_wait3A_170 = tpu.memref_slice %arg2[%dma_wait3A_168, %dma_wait3A_169] : memref<100000x128xf32, #tpu.memory_space<hbm>> -> memref<128x128xf32, #tpu.memory_space<hbm>>
    tpu.wait_dma2 semaphore(%arg20 : memref<!tpu.dma_semaphore, #tpu.memory_space<semaphore_mem>>) src(%dma_wait3A_170 : memref<128x128xf32, #tpu.memory_space<hbm>>) dst(%arg10 : memref<128x128xf32, #tpu.memory_space<vmem>>)
    return
  }
}

</mosaic_0001>

<sc_bundles>
// kernel: kernel.3.cloned.1.call-start
scs
__scs_entry_jumppad:
0x0: {  	(pc) =	sbr.rel $0x88, $3  }
0x1: {  	(tag) =	ssettag $0x0;
	lr =	simm.s32 $0x1  }
0x2: {  	[smem:$0x3F9F] =	sst lr;
	_ =	strace $0xD0000000  }
0x3: {  	_ = 	snop  }
0x4: {  	_ = 	snop  }
0x5: {  	_ = 	snop  }
0x6: {  	_ = 	snop  }
0x7: {  	_ = 	snop  }
__scs_overlays_trampoline_lowered:
0x8: {  	[smem:$0x3FAE] =	sst s0  }
0x9: {  	[smem:$0x3FAF] =	sst s1  }
0xa: {  	[smem:$0x3FB0] =	sst s2  }
0xb: {  	[smem:$0x3FB1] =	sst s3  }
0xc: {  	[smem:$0x3FB2] =	sst s4  }
0xd: {  	[smem:$0x3FB3] =	sst s5  }
0xe: {  	[smem:$0x3FB4] =	sst s6  }
0xf: {  	[smem:$0x3FB5] =	sst s7  }
0x10: {  	[smem:$0x3FB6] =	sst s8  }
0x11: {  	[smem:$0x3FB7] =	sst s9;
	s0 =	simm.s32 @!p0 $0x0  }
0x12: {  	s1 =	sld [smem:$0x3F9D];
	s0 =	simm.s32 @p0 $0x1  }
0x13: {  	[smem:$0x3FB8] =	sst s0;
	s0 =	simm.s32 @!p1 $0x0  }
0x14: {  	s2 =	sld [smem:$0x3F9C];
	s0 =	simm.s32 @p1 $0x1  }
0x15: {  	[smem:$0x3FB9] =	sst s0;
	s0 =	simm.s32 @!p2 $0x0  }
0x16: {  	s3 =	sld [smem:$0x3FDB];
	s0 =	simm.s32 @p2 $0x1  }
0x17: {  	s4 =	simm.s32 $0x1BF5;
	[smem:$0x3FBB] =	sst s0  }
0x18: {  	s0 =	sld [smem:$0x3F9E];
	_ =	swait.ge [sflag:s4], $0x0  }
0x19: {  	s7 =	sld [smem:$0x3F9F]  }
0x1a: {  	s8 =	sadd.s32 $0xFFFFE003, lr  }
0x1b: {  	s9 =	sadd.s32 $0xFFFFFEF7, lr;
	s5 =	simm.s32 $0xFFFFFFFF;
	p2 =	slt.u32 s8, $0xFFFFF086  }
0x1c: {  	p1 =	slt.u32 s9, $0xF7A;
	s5 =	simm.s32 @!p2 $0x0  }
0x1d: {  	s5 =	simm.s32 @p1 $0x1;
	p0 =	seq.s32 s7, s2  }
0x1e: {  	s7 =	smul.u32 @!p0 $0xF7A, s2;
	p2 =	seq.s32 @!p0 s5, $0x0  }
0x1f: {  	s9 =	smul.u32 $0xF7A, s1;
	s8 =	simm.s32 @!p0 $0x1BF5;
	p2 =	por !p2, p0  }
0x20: {  	[sflag:s8] =	ssyncset.s32 @!p0 $0xFFFFF086;
	s6 =	sadd.s32 @!p0 s3, s7;
	s7 =	simm.s32 @!p0 $0x108  }
0x21: {  	s3 =	sadd.s32 s3, s9;
	s6 =	sadd.s32 @!p0 $0x88, s6;
	s7 =	simm.s32 @p2 $0x1082  }
0x22: {  	[simem:s7], [sflag:s8] =	dma.local @!p0 [hbm:s6], $0xF7A  }
0x23: {  	s9 =	sor.u32 $0xD0000000, s2;
	s6 =	simm.s32 $0x108;
	_ =	swait.ge @!p0 [sflag:s8], $0x0  }
0x24: {  	s3 =	sadd.s32 $0x88, s3;
	s6 =	simm.s32 @!p1 $0x1082;
	[sflag:s4] =	ssyncset.s32 $0xFFFFF086  }
0x25: {  	[simem:s6], [sflag:s4] =	dma.local [hbm:s3], $0xF7A  }
0x26: {  	[smem:$0x3F9F] =	sst s1;
	(tag) =	ssettag s2;
	_ =	strace s9  }
0x27: {  	s1 =	sld [smem:$0x3FAF]  }
0x28: {  	s2 =	sld [smem:$0x3FB0]  }
0x29: {  	s4 =	sld [smem:$0x3FB2]  }
0x2a: {  	p0 =	seq.s32 s5, $0x0;
	s5 =	sld [smem:$0x3FB3]  }
0x2b: {  	s6 =	sld [smem:$0x3FB4]  }
0x2c: {  	s7 =	sld [smem:$0x3FB5]  }
0x2d: {  	s3 =	simm.s32 $0x108;
	s8 =	sld [smem:$0x3FB6]  }
0x2e: {  	s3 =	simm.s32 @!p0 $0x1082;
	s9 =	sld [smem:$0x3FB7]  }
0x2f: {  	lr =	sadd.s32 s0, s3;
	s0 =	sld [smem:$0x3FAE]  }
0x30: {  	s3 =	sld [smem:$0x3FB1]  }
0x31: {  	[smem:$0x3FBA] =	sst s10  }
0x32: {  	s10 =	sld [smem:$0x3FB8];
	_ =	sdelay $0x3  }
0x33: {  	p0 =	seq.s32 s10, $0x1;
	s10 =	sld [smem:$0x3FBA];
	_ =	sdelay $0x3  }
0x34: {  	[smem:$0x3FBA] =	sst s10  }
0x35: {  	s10 =	sld [smem:$0x3FB9];
	_ =	sdelay $0x3  }
0x36: {  	p1 =	seq.s32 s10, $0x1;
	s10 =	sld [smem:$0x3FBA];
	_ =	sdelay $0x3  }
0x37: {  	[smem:$0x3FBA] =	sst s10  }
0x38: {  	s10 =	sld [smem:$0x3FBB]  }
0x39: {  	_ = 	snop;
	(pc) =	sbr.ind lr, $3  }
0x3a: {  	_ = 	snop  }
0x3b: {  	_ = 	snop  }
0x3c: {  	p2 =	seq.s32 s10, $0x1;
	s10 =	sld [smem:$0x3FBA]  }
0x3d: {  	_ =	shalt  }
0x3e: {  	_ =	shalt  }
0x3f: {  	_ =	shalt  }
0x40: {  	_ =	shalt  }
0x41: {  	_ =	shalt  }
0x42: {  	_ =	shalt  }
0x43: {  	_ =	shalt  }
0x44: {  	_ =	shalt  }
0x45: {  	_ =	shalt  }
0x46: {  	_ =	shalt  }
0x47: {  	_ =	shalt  }
0x48: {  	_ =	shalt  }
0x49: {  	_ =	shalt  }
0x4a: {  	_ =	shalt  }
0x4b: {  	_ =	shalt  }
0x4c: {  	_ =	shalt  }
0x4d: {  	_ =	shalt  }
0x4e: {  	_ =	shalt  }
0x4f: {  	_ =	shalt  }
0x50: {  	_ =	shalt  }
0x51: {  	_ =	shalt  }
0x52: {  	_ =	shalt  }
0x53: {  	_ =	shalt  }
0x54: {  	_ =	shalt  }
0x55: {  	_ =	shalt  }
0x56: {  	_ =	shalt  }
0x57: {  	_ =	shalt  }
0x58: {  	_ =	shalt  }
0x59: {  	_ =	shalt  }
0x5a: {  	_ =	shalt  }
0x5b: {  	_ =	shalt  }
0x5c: {  	_ =	shalt  }
0x5d: {  	_ =	shalt  }
0x5e: {  	_ =	shalt  }
0x5f: {  	_ =	shalt  }
0x60: {  	_ =	shalt  }
0x61: {  	_ =	shalt  }
0x62: {  	_ =	shalt  }
0x63: {  	_ =	shalt  }
0x64: {  	_ =	shalt  }
0x65: {  	_ =	shalt  }
0x66: {  	_ =	shalt  }
0x67: {  	_ =	shalt  }
0x68: {  	_ =	shalt  }
0x69: {  	_ =	shalt  }
0x6a: {  	_ =	shalt  }
0x6b: {  	_ =	shalt  }
0x6c: {  	_ =	shalt  }
0x6d: {  	_ =	shalt  }
0x6e: {  	_ =	shalt  }
0x6f: {  	_ =	shalt  }
0x70: {  	_ =	shalt  }
0x71: {  	_ =	shalt  }
0x72: {  	_ =	shalt  }
0x73: {  	_ =	shalt  }
0x74: {  	_ =	shalt  }
0x75: {  	_ =	shalt  }
0x76: {  	_ =	shalt  }
0x77: {  	_ =	shalt  }
0x78: {  	_ =	shalt  }
0x79: {  	_ =	shalt  }
0x7a: {  	_ =	shalt  }
0x7b: {  	_ =	shalt  }
0x7c: {  	_ =	shalt  }
0x7d: {  	_ =	shalt  }
0x7e: {  	_ =	shalt  }
0x7f: {  	_ =	shalt  }
0x80: {  	_ =	shalt  }
0x81: {  	_ =	shalt  }
0x82: {  	_ =	shalt  }
0x83: {  	_ =	shalt  }
0x84: {  	_ =	shalt  }
0x85: {  	_ =	shalt  }
0x86: {  	_ =	shalt  }
0x87: {  	_ =	shalt  }
.Lfunc_end0:
.L_simem_size_0:
called_computation_lowered:
.L_overlay_start_0:
0x88: {  	s2 =	sld [smem:$0x3FD9]  }
0x89: {  	s3 =	sld [smem:$0x3FFE];
	_ =	sdelay $0x1  }
0x8a: {  	s1 =	srdreg.scid  }
0x8b: {  	s0 =	sand.u32 $0x1, s1  }
0x8c: {  	s18 =	sshll.u32 s0, $0xA;
	s2 =	sadd.s32 s3, s2  }
0x8d: {  	s2 =	sadd.s32 s2, s18  }
0x8e: {  	[smem:$0x3FC6] =	sst s2  }
0x8f: {  	_ = 	snop  }
0x90: {  	s2 =	sld [smem:$0x3FC9]  }
0x91: {  	s19 =	sld [smem:$0x3FC8]  }
0x92: {  	s4 =	sld [smem:$0x3FD0];
	(tm) =	ssettm $0x1  }
0x93: {  	s5 =	sld [smem:$0x3FFB];
	_ =	sdelay $0x3  }
0x94: {  	_ =	strace s5  }
0x95: {  	s5 =	sld [smem:$0x3FFC];
	_ =	sdelay $0x3  }
0x96: {  	_ =	strace s5  }
0x97: {  	s5 =	sld [smem:$0x3FFD];
	_ =	sdelay $0x3  }
0x98: {  	_ =	strace s5  }
0x99: {  	_ =	strace $0x8FFFFFFF  }
0x9a: {  	s20 =	sld [smem:$0x3FDB];
	_ =	sdelay $0x1  }
0x9b: {  	s6 =	simm.s32 $_scs_section_size  }
0x9c: {  	s7 =	simm.s32 $_size__tile_overlayer_lowered;
	s8 =	simm.s32 $_tile_overlayer_lowered  }
0x9d: {  	s23 =	simm.s32 $0x1BFF;
	s22 =	sshll.u32 s8, $0x1;
	s5 =	sadd.s32 s6, s20  }
0x9e: {  	s9 =	simm.s32 $0x0;
	s21 =	sshll.u32 s7, $0x1;
	s7 =	sadd.s32 s22, s5  }
0x9f: {  	[timem:s9], [sflag:s23] =	dma.local [hbm:s7], s21  }
0xa0: {  	_ =	swait.ge [sflag:s23], s21  }
0xa1: {  	s6 =	ssub.s32 $0x0, s21;
	[sflag:s23] =	ssyncset.done $0x0  }
0xa2: {  	[sflag:s23] =	ssyncadd.s32 s6;
	_ =	sdelay $0x1  }
0xa3: {  	s24 =	simm.s32 $0x1B8B  }
0xa4: {  	_ =	swait.ge [sflag:s24], $0x1  }
0xa5: {  	[sflag:s24] =	ssyncset.done $0x0  }
0xa6: {  	s25 =	simm.s32 $0x1B8E;
	[sflag:s24] =	ssyncadd.s32 $0xFFFFFFFF  }
0xa7: {  	s26 =	simm.s32 $execute0_lowered;
	[smem:$0x3FD2] =	sst s25  }
0xa8: {  	s6 =	sshll.u32 s26, $0x1;
	_ =	strace $0x80000046;
	[dreg:$0x1] =	wrdreg $0xFFFFFFFF  }
0xa9: {  	s28 =	simm.s32 $_size_execute0_lowered;
	s5 =	sadd.s32 s5, s6;
	[dreg:$0x0] =	wrdreg $0x0  }
0xaa: {  	s6 =	sshll.u32 s28, $0x1;
	[dreg:$0x2] =	wrdreg s5  }
0xab: {  	[dreg:$0x3] =	wrdreg s6  }
0xac: {  	[dreg:$0x4] =	wrdreg $0xC0  }
0xad: {  	_ =	task [dreg:s9], $0x5FFFF  }
0xae: {  	[dreg:$0x1] =	wrdreg $0xFFFFFFFF  }
0xaf: {  	[dreg:$0x0] =	wrdreg $0x60  }
0xb0: {  	[dreg:$0x2] =	wrdreg s19  }
0xb1: {  	[dreg:$0x3] =	wrdreg s2  }
0xb2: {  	[dreg:$0x4] =	wrdreg s4  }
0xb3: {  	[dreg:$0x5] =	wrdreg $0x9  }
0xb4: {  	_ =	task.clear_ibuf [dreg:s9], $0x6FFFF;
	_ =	strace $0x90000046  }
0xb5: {  	s29 =	simm.s32 $0x9;
	_ =	strace $0x80000048  }
0xb6: {  	_ =	swait.ge [sflag:s29], $0x1  }
0xb7: {  	[sflag:s29] =	ssyncadd.s32 $0xFFFFFFFF  }
0xb8: {  	_ =	strace $0x90000048  }
0xb9: {  	_ =	sfence  }
0xba: {  	s30 =	sld [smem:$0x0];
	_ =	sdelay $0x2  }
0xbb: {  	s31 =	sshll.u32 s1, $0xD;
	s1 =	sshrl.u32 s1, $0x2  }
0xbc: {  	s3 =	sand.u32 $0x4000, s31;
	s1 =	sadd.s32 s1, s30  }
0xbd: {  	s0 =	sor.u32 s3, s0;
	s1 =	sshll.u32 s1, $0x11  }
0xbe: {  	s0 =	sor.u32 s1, s0  }
0xbf: {  	s0 =	sadd.s32 $0x8F2B, s0  }
0xc0: {  	[sflag:s0] =	ssyncadd.remote.s32 $0x1  }
0xc1: {  	_ =	sfence.sel $0xFFFF  }
0xc2: {  	[dreg:$0x0] =	wrdreg $0xFFFFFFFF;
	(pc) =	sbr.abs _section_cstart, $3  }
0xc3: {  	[dreg:$0x1] =	wrdreg $0xFFFFFFFF  }
0xc4: {  	_ =	task.clear_ibuf [dreg:s9], $0x2FFFF;
	_ =	strace $0x9FFFFFFF  }
0xc5: {  	(tm) =	ssettm $0x7FFFFFFF  }
tec
execute0_lowered:
.L_overlay_start_1:
0x0: {  	(tag) =	ssettag $0x1  }
0x1: {  	s1 =	rddreg [dreg:$0x0]  }
0x2: {  	s0 =	rddreg [dreg:$0x1]  }
0x3: {  	s3 =	rddreg [dreg:$0x2];
	s2 =	srdreg.scid  }
0x4: {  	s4 =	simm.s32 $0x0;
	s9 =	stileid.u32;
	s28 =	simm.s32 $0x3  }
0x5: {  	s30 =	simm.s32 $0x11C00;
	s31 =	simm.s32 $0x4;
	s29 =	simm.s32 $0xA  }
0x6: {  	s2 =	sand.u32 $0x1, s2;
	s6 =	sshll.u32 s9, $0x8;
	[smem:$0x7FF] =	sst s4  }
0x7: {  	s14 =	sshll.u32 s9, $0xF;
	s5 =	ssub.s32 $0x2, s2;
	s7 =	sshll.u32 s2, $0x7  }
0x8: {  	_ =	strace $0x80000047;
	s2 =	sshll.u32 s2, $0xE;
	s8 =	sshrl.u32 s5, $0x1  }
0x9: {  	s6 =	sor.u32 s7, s6;
	s15 =	sor.u32 s2, s14;
	s14 =	simm.s32 $0x5  }
0xa: {  	s5 =	ssub.s32 s5, s8;
	s7 =	sadd.s32 s0, s6;
	s13 =	sshll.u32 s6, $0x4  }
0xb: {  	s18 =	sor.u32 $0x300000, s15;
	s20 =	sor.u32 $0x480000, s15;
	s22 =	sor.u32 $0x400000, s15  }
0xc: {  	s23 =	sor.u32 $0x380000, s15;
	s0 =	simm.s32 $0x6;
	[dreg:$0x8] =	wrdreg s7  }
0xd: {  	s7 =	sadd.s32 $0x6000, s7;
	s2 =	sshrl.u32 s18, $0x3;
	s12 =	smax.u32 s5, $0x1  }
0xe: {  	s21 =	sshrl.u32 s20, $0x3;
	s5 =	sshrl.u32 s22, $0x3;
	s25 =	sshrl.u32 s23, $0x3  }
0xf: {  	s18 =	simm.s32 $0x80;
	s20 =	simm.s32 $0x5C00;
	s23 =	simm.s32 $0x9C00  }
0x10: {  	s22 =	simm.s32 $0x8;
	[dreg:$0x9] =	wrdreg s7;
	s2 =	sadd.s32 s2, s3  }
0x11: {  	s7 =	sadd.s32 s3, s13;
	s24 =	sadd.s32 s5, s3;
	[dreg:$0x4] =	wrdreg s2  }
0x12: {  	s13 =	sor.u32 $0x280000, s15;
	s26 =	sadd.s32 s25, s3;
	[dreg:$0x6] =	wrdreg s24  }
0x13: {  	s15 =	simm.s32 $0x7;
	s16 =	sadd.s32 $0x10000, s7;
	[dreg:$0x7] =	wrdreg s26  }
0x14: {  	s25 =	simm.s32 $0x9;
	s17 =	sadd.s32 $0x20000, s7;
	[dreg:$0xa] =	wrdreg s16  }
0x15: {  	s19 =	sadd.s32 $0x30000, s7;
	s11 =	sadd.s32 $0x40000, s7;
	[dreg:$0xb] =	wrdreg s17  }
0x16: {  	s2 =	sadd.s32 s21, s3;
	s21 =	simm.s32 $0x1;
	[dreg:$0xc] =	wrdreg s19  }
0x17: {  	s24 =	simm.s32 $0x2;
	s26 =	simm.s32 $0xDC00;
	[dreg:$0x5] =	wrdreg s2  }
0x18: {  	s17 =	simm.s32 $0xB;
	s19 =	simm.s32 $0x1C00;
	s2 =	simm.s32 $0x0  }
.LBB2_1:
0x19: {  	s5 =	rddreg [dreg:$0x8];
	s6 =	simm.s32 $0x400;
	s8 =	simm.s32 $0x8000  }
0x1a: {  	[tilespmem:s4], [sflag:$0xB] =	stream.strided.gather [hbm4b:s5+s6], $0x1800, s8, s6, $0x38;
	[tilespmem:$0x15C00] =	vst v63  }
0x1b: {  	s10 =	rddreg [dreg:$0x9];
	s16 =	simm.s32 $0x1800  }
0x1c: {  	[tilespmem:s16], [sflag:$0xB] =	stream.linear.gather [hbm4b:s10+s4], $0x100, $0x38;
	[tilespmem:$0x15C00] =	vst v63  }
0x1d: {  	_ =	swait.ge [sflag:s17], $0x1900  }
0x1e: {  	[sflag:s17] =	ssyncset.done $0x0  }
0x1f: {  	[sflag:s17] =	ssyncadd.s32 $0xFFFFE700  }
0x20: {  	[tilespmem:s19], [sflag:$0x1] =	stream.indirect.gather [hbm4b:s1+s18], $0x80, s4, s18, $0xb8;
	[tilespmem:$0x15C00] =	vst v63  }
0x21: {  	_ = 	snop  }
0x22: {  	[tilespmem:s20], [sflag:$0x2] =	stream.indirect.gather [hbm4b:s1+s18], $0x80, s18, s18, $0xb8;
	[tilespmem:$0x15C00] =	vst v63  }
0x23: {  	_ =	swait.ge [sflag:s21], $0x4000  }
0x24: {  	[sflag:s21] =	ssyncset.done $0x0  }
0x25: {  	[sflag:s21] =	ssyncadd.s32 $0xFFFFC000  }
0x26: {  	[hbm4b:s7+s4] =	stream.linear.scatter [tilespmem:s19], [sflag:$0x6], $0x4000, $0x38;
	[tilespmem:$0x15C00] =	vst v63  }
0x27: {  	s8 =	simm.s32 $0x100  }
0x28: {  	[tilespmem:s23], [sflag:$0x3] =	stream.indirect.gather [hbm4b:s1+s18], $0x80, s8, s18, $0xb8;
	[tilespmem:$0x15C00] =	vst v63  }
0x29: {  	_ =	swait.ge [sflag:s24], $0x4000  }
0x2a: {  	[sflag:s24] =	ssyncset.done $0x0  }
0x2b: {  	s9 =	rddreg [dreg:$0xa];
	[sflag:s24] =	ssyncadd.s32 $0xFFFFC000  }
0x2c: {  	[hbm4b:s9+s4] =	stream.linear.scatter [tilespmem:s20], [sflag:$0x7], $0x4000, $0x38;
	[tilespmem:$0x15C00] =	vst v63  }
0x2d: {  	s10 =	simm.s32 $0x180  }
0x2e: {  	[tilespmem:s26], [sflag:$0x4] =	stream.indirect.gather [hbm4b:s1+s18], $0x80, s10, s18, $0xb8;
	[tilespmem:$0x15C00] =	vst v63  }
0x2f: {  	_ =	swait.ge [sflag:s28], $0x4000  }
0x30: {  	[sflag:s28] =	ssyncset.done $0x0  }
0x31: {  	s16 =	rddreg [dreg:$0xb];
	[sflag:s28] =	ssyncadd.s32 $0xFFFFC000  }
0x32: {  	[hbm4b:s16+s4] =	stream.linear.scatter [tilespmem:s23], [sflag:$0x8], $0x4000, $0x38;
	[tilespmem:$0x15C00] =	vst v63  }
0x33: {  	s6 =	simm.s32 $0x200  }
0x34: {  	[tilespmem:s30], [sflag:$0x5] =	stream.indirect.gather [hbm4b:s1+s18], $0x80, s6, s18, $0xb8;
	[tilespmem:$0x15C00] =	vst v63  }
0x35: {  	_ =	swait.ge [sflag:s31], $0x4000  }
0x36: {  	[sflag:s31] =	ssyncset.done $0x0  }
0x37: {  	s8 =	rddreg [dreg:$0xc];
	[sflag:s31] =	ssyncadd.s32 $0xFFFFC000  }
0x38: {  	[hbm4b:s8+s4] =	stream.linear.scatter [tilespmem:s26], [sflag:$0x9], $0x4000, $0x38;
	[tilespmem:$0x15C00] =	vst v63  }
0x39: {  	_ =	swait.ge [sflag:s0], $0x4000  }
0x3a: {  	[sflag:s0] =	ssyncset.done $0x0  }
0x3b: {  	s9 =	simm.s32 $0x280;
	[sflag:s0] =	ssyncadd.s32 $0xFFFFC000  }
0x3c: {  	[tilespmem:s19], [sflag:$0x1] =	stream.indirect.gather [hbm4b:s1+s18], $0x80, s9, s18, $0xb8;
	[tilespmem:$0x15C00] =	vst v63  }
0x3d: {  	_ =	swait.ge [sflag:s14], $0x4000  }
0x3e: {  	[sflag:s14] =	ssyncset.done $0x0  }
0x3f: {  	[sflag:s14] =	ssyncadd.s32 $0xFFFFC000  }
0x40: {  	[hbm4b:s11+s4] =	stream.linear.scatter [tilespmem:s30], [sflag:$0xA], $0x4000, $0x38;
	[tilespmem:$0x15C00] =	vst v63  }
0x41: {  	_ =	swait.ge [sflag:s15], $0x4000  }
0x42: {  	[sflag:s15] =	ssyncset.done $0x0  }
0x43: {  	s10 =	simm.s32 $0x300;
	[sflag:s15] =	ssyncadd.s32 $0xFFFFC000  }
0x44: {  	[tilespmem:s20], [sflag:$0x2] =	stream.indirect.gather [hbm4b:s1+s18], $0x80, s10, s18, $0xb8;
	[tilespmem:$0x15C00] =	vst v63  }
0x45: {  	_ =	swait.ge [sflag:s21], $0x4000  }
0x46: {  	s16 =	sshrl.u32 s13, $0x3;
	[sflag:s21] =	ssyncset.done $0x0  }
0x47: {  	s5 =	sadd.s32 s3, s16;
	[sflag:s21] =	ssyncadd.s32 $0xFFFFC000  }
0x48: {  	[hbm4b:s5+s4] =	stream.linear.scatter [tilespmem:s19], [sflag:$0x6], $0x4000, $0x38;
	[tilespmem:$0x15C00] =	vst v63  }
0x49: {  	_ =	swait.ge [sflag:s22], $0x4000  }
0x4a: {  	[sflag:s22] =	ssyncset.done $0x0  }
0x4b: {  	s6 =	simm.s32 $0x380;
	[sflag:s22] =	ssyncadd.s32 $0xFFFFC000  }
0x4c: {  	[tilespmem:s23], [sflag:$0x3] =	stream.indirect.gather [hbm4b:s1+s18], $0x80, s6, s18, $0xb8;
	[tilespmem:$0x15C00] =	vst v63  }
0x4d: {  	_ =	swait.ge [sflag:s24], $0x4000  }
0x4e: {  	s8 =	rddreg [dreg:$0x4];
	[sflag:s24] =	ssyncset.done $0x0  }
0x4f: {  	[sflag:s24] =	ssyncadd.s32 $0xFFFFC000;
	s5 =	sadd.s32 $0x0, s8  }
0x50: {  	[hbm4b:s5+s4] =	stream.linear.scatter [tilespmem:s20], [sflag:$0x7], $0x4000, $0x38;
	[tilespmem:$0x15C00] =	vst v63  }
0x51: {  	_ =	swait.ge [sflag:s25], $0x4000  }
0x52: {  	[sflag:s25] =	ssyncset.done $0x0  }
0x53: {  	s9 =	simm.s32 $0x400;
	[sflag:s25] =	ssyncadd.s32 $0xFFFFC000  }
0x54: {  	[tilespmem:s26], [sflag:$0x4] =	stream.indirect.gather [hbm4b:s1+s18], $0x80, s9, s18, $0xb8;
	[tilespmem:$0x15C00] =	vst v63  }
0x55: {  	_ =	swait.ge [sflag:s28], $0x4000  }
0x56: {  	s10 =	rddreg [dreg:$0x7];
	[sflag:s28] =	ssyncset.done $0x0  }
0x57: {  	[sflag:s28] =	ssyncadd.s32 $0xFFFFC000;
	s5 =	sadd.s32 $0x0, s10  }
0x58: {  	[hbm4b:s5+s4] =	stream.linear.scatter [tilespmem:s23], [sflag:$0x8], $0x4000, $0x38;
	[tilespmem:$0x15C00] =	vst v63  }
0x59: {  	_ =	swait.ge [sflag:s29], $0x4000  }
0x5a: {  	[sflag:s29] =	ssyncset.done $0x0  }
0x5b: {  	s16 =	simm.s32 $0x480;
	[sflag:s29] =	ssyncadd.s32 $0xFFFFC000  }
0x5c: {  	[tilespmem:s30], [sflag:$0x5] =	stream.indirect.gather [hbm4b:s1+s18], $0x80, s16, s18, $0xb8;
	[tilespmem:$0x15C00] =	vst v63  }
0x5d: {  	_ =	swait.ge [sflag:s31], $0x4000  }
0x5e: {  	s6 =	rddreg [dreg:$0x6];
	[sflag:s31] =	ssyncset.done $0x0  }
0x5f: {  	[sflag:s31] =	ssyncadd.s32 $0xFFFFC000;
	s5 =	sadd.s32 $0x0, s6  }
0x60: {  	[hbm4b:s5+s4] =	stream.linear.scatter [tilespmem:s26], [sflag:$0x9], $0x4000, $0x38;
	[tilespmem:$0x15C00] =	vst v63  }
0x61: {  	s8 =	smin.u32 s4, $0x27;
	_ =	swait.ge [sflag:s0], $0x4000  }
0x62: {  	s5 =	sshll.u32 s8, $0x7;
	[sflag:s0] =	ssyncset.done $0x0  }
0x63: {  	s5 =	sadd.s32 $0x500, s5;
	[sflag:s0] =	ssyncadd.s32 $0xFFFFC000  }
0x64: {  	[tilespmem:s19], [sflag:$0x1] =	stream.indirect.gather [hbm4b:s1+s18], $0x80, s5, s18, $0xb8;
	[tilespmem:$0x15C00] =	vst v63  }
0x65: {  	_ =	swait.ge [sflag:s14], $0x4000  }
0x66: {  	s9 =	rddreg [dreg:$0x5];
	[sflag:s14] =	ssyncset.done $0x0  }
0x67: {  	s10 =	smin.u32 s4, $0x26;
	[sflag:s14] =	ssyncadd.s32 $0xFFFFC000;
	s5 =	sadd.s32 $0x0, s9  }
0x68: {  	[hbm4b:s5+s4] =	stream.linear.scatter [tilespmem:s30], [sflag:$0xA], $0x4000, $0x38;
	[tilespmem:$0x15C00] =	vst v63  }
0x69: {  	s16 =	simm.s32 $0x50000;
	s6 =	simm.s32 $0x700;
	_ =	swait.ge [sflag:s15], $0x4000  }
0x6a: {  	s8 =	simm.s32 $0x5;
	s5 =	sshll.u32 s10, $0x7;
	[sflag:s15] =	ssyncset.done $0x0  }
0x6b: {  	s9 =	sadd.s32 $0x280000, s13;
	s5 =	sadd.s32 $0x580, s5;
	[sflag:s15] =	ssyncadd.s32 $0xFFFFC000  }
.LBB2_2:
0x6c: {  	[tilespmem:s20], [sflag:$0x2] =	stream.indirect.gather [hbm4b:s1+s18], $0x80, s5, s18, $0xb8;
	[tilespmem:$0x15C00] =	vst v63  }
0x6d: {  	_ =	swait.ge [sflag:s21], $0x4000  }
0x6e: {  	s10 =	sshrl.u32 s9, $0x3;
	[sflag:s21] =	ssyncset.done $0x0  }
0x6f: {  	s10 =	sadd.s32 s3, s10;
	[sflag:s21] =	ssyncadd.s32 $0xFFFFC000  }
0x70: {  	[hbm4b:s10+s4] =	stream.linear.scatter [tilespmem:s19], [sflag:$0x6], $0x4000, $0x38;
	[tilespmem:$0x15C00] =	vst v63  }
0x71: {  	_ =	swait.ge [sflag:s22], $0x4000  }
0x72: {  	[sflag:s22] =	ssyncset.done $0x0  }
0x73: {  	s10 =	sadd.s32 $0xFFFFFF00, s6;
	[sflag:s22] =	ssyncadd.s32 $0xFFFFC000  }
0x74: {  	[tilespmem:s23], [sflag:$0x3] =	stream.indirect.gather [hbm4b:s1+s18], $0x80, s10, s18, $0xb8;
	[tilespmem:$0x15C00] =	vst v63  }
0x75: {  	_ =	swait.ge [sflag:s24], $0x4000  }
0x76: {  	s5 =	smov.u32 s16;
	s10 =	rddreg [dreg:$0x4];
	[sflag:s24] =	ssyncset.done $0x0  }
0x77: {  	[sflag:s24] =	ssyncadd.s32 $0xFFFFC000;
	s10 =	sadd.s32 s5, s10  }
0x78: {  	[hbm4b:s10+s4] =	stream.linear.scatter [tilespmem:s20], [sflag:$0x7], $0x4000, $0x38;
	[tilespmem:$0x15C00] =	vst v63  }
0x79: {  	_ =	swait.ge [sflag:s25], $0x4000  }
0x7a: {  	[sflag:s25] =	ssyncset.done $0x0  }
0x7b: {  	s10 =	sadd.s32 $0xFFFFFF80, s6;
	[sflag:s25] =	ssyncadd.s32 $0xFFFFC000  }
0x7c: {  	[tilespmem:s26], [sflag:$0x4] =	stream.indirect.gather [hbm4b:s1+s18], $0x80, s10, s18, $0xb8;
	[tilespmem:$0x15C00] =	vst v63  }
0x7d: {  	_ =	swait.ge [sflag:s28], $0x4000  }
0x7e: {  	s10 =	rddreg [dreg:$0x7];
	[sflag:s28] =	ssyncset.done $0x0  }
0x7f: {  	[sflag:s28] =	ssyncadd.s32 $0xFFFFC000;
	s10 =	sadd.s32 s5, s10  }
0x80: {  	[hbm4b:s10+s4] =	stream.linear.scatter [tilespmem:s23], [sflag:$0x8], $0x4000, $0x38;
	[tilespmem:$0x15C00] =	vst v63  }
0x81: {  	_ =	swait.ge [sflag:s29], $0x4000  }
0x82: {  	[sflag:s29] =	ssyncset.done $0x0  }
0x83: {  	[sflag:s29] =	ssyncadd.s32 $0xFFFFC000  }
0x84: {  	[tilespmem:s30], [sflag:$0x5] =	stream.indirect.gather [hbm4b:s1+s18], $0x80, s6, s18, $0xb8;
	[tilespmem:$0x15C00] =	vst v63  }
0x85: {  	_ =	swait.ge [sflag:s31], $0x4000  }
0x86: {  	s10 =	rddreg [dreg:$0x6];
	[sflag:s31] =	ssyncset.done $0x0  }
0x87: {  	[sflag:s31] =	ssyncadd.s32 $0xFFFFC000;
	s10 =	sadd.s32 s5, s10  }
0x88: {  	[hbm4b:s10+s4] =	stream.linear.scatter [tilespmem:s26], [sflag:$0x9], $0x4000, $0x38;
	[tilespmem:$0x15C00] =	vst v63  }
0x89: {  	s10 =	smin.u32 s8, $0x27;
	_ =	swait.ge [sflag:s0], $0x4000  }
0x8a: {  	s10 =	sshll.u32 s10, $0x7;
	[sflag:s0] =	ssyncset.done $0x0  }
0x8b: {  	s10 =	sadd.s32 $0x500, s10;
	[sflag:s0] =	ssyncadd.s32 $0xFFFFC000  }
0x8c: {  	[tilespmem:s19], [sflag:$0x1] =	stream.indirect.gather [hbm4b:s1+s18], $0x80, s10, s18, $0xb8;
	[tilespmem:$0x15C00] =	vst v63  }
0x8d: {  	p0 =	sne.s32 s16, $0x280000;
	_ =	swait.ge [sflag:s14], $0x4000  }
0x8e: {  	s16 =	sadd.s32 $0x50000, s16;
	s10 =	rddreg [dreg:$0x5];
	[sflag:s14] =	ssyncset.done $0x0  }
.Ltmp0:
0x8f: {  	[sflag:s14] =	ssyncadd.s32 $0xFFFFC000;
	s5 =	sadd.s32 s5, s10;
	(pc) =	sbr.rel @p0 .LBB2_2-.Ltmp0, $4  }
0x90: {  	[hbm4b:s5+s4] =	stream.linear.scatter [tilespmem:s30], [sflag:$0xA], $0x4000, $0x38;
	[tilespmem:$0x15C00] =	vst v63  }
0x91: {  	s9 =	sadd.s32 $0x280000, s9;
	s10 =	smin.u32 s8, $0x26;
	_ =	swait.ge [sflag:s15], $0x4000  }
0x92: {  	s6 =	sadd.s32 $0x280, s6;
	s5 =	sshll.u32 s10, $0x7;
	[sflag:s15] =	ssyncset.done $0x0  }
0x93: {  	s8 =	sadd.s32 $0x5, s8;
	s5 =	sadd.s32 $0x580, s5;
	[sflag:s15] =	ssyncadd.s32 $0xFFFFC000  }
0x94: {  	[tilespmem:s20], [sflag:$0x2] =	stream.indirect.gather [hbm4b:s1+s18], $0x80, s5, s18, $0xb8;
	[tilespmem:$0x15C00] =	vst v63  }
0x95: {  	_ =	swait.ge [sflag:s21], $0x4000  }
0x96: {  	[sflag:s21] =	ssyncset.done $0x0  }
0x97: {  	[sflag:s21] =	ssyncadd.s32 $0xFFFFC000  }
0x98: {  	_ =	swait.ge [sflag:s24], $0x4000  }
0x99: {  	[sflag:s24] =	ssyncset.done $0x0  }
0x9a: {  	[sflag:s24] =	ssyncadd.s32 $0xFFFFC000  }
0x9b: {  	_ =	swait.ge [sflag:s22], $0x4000  }
0x9c: {  	[sflag:s22] =	ssyncset.done $0x0  }
0x9d: {  	s2 =	sadd.s32 $0x1, s2;
	[sflag:s22] =	ssyncadd.s32 $0xFFFFC000  }
0x9e: {  	p0 =	sne.s32 s2, s12;
	_ =	swait.ge [sflag:s25], $0x4000  }
.Ltmp1:
0x9f: {  	[sflag:s25] =	ssyncset.done $0x0;
	(pc) =	sbr.rel @p0 .LBB2_1-.Ltmp1, $4  }
0xa0: {  	[sflag:s25] =	ssyncadd.s32 $0xFFFFC000  }
0xa1: {  	_ =	swait.ge [sflag:s29], $0x4000  }
0xa2: {  	[sflag:s29] =	ssyncset.done $0x0  }
0xa3: {  	[sflag:s29] =	ssyncadd.s32 $0xFFFFC000  }
0xa4: {  	_ =	sfence.sel $0x180000  }
0xa5: {  	[bflag:$0x0] =	sbarrier.arrive $0xFFFF  }
0xa6: {  	_ =	strace $0x90000047  }
0xa7: {  	s0 =	stileid.u32;
	[bflag:$0x2] =	sbarrier.arrive $0xFFFF  }
0xa8: {  	p0 =	sne.s32 s0, $0x0;
	s0 =	rddreg [dreg:$0x3]  }
0xa9: {  	s0 =	sadd.s32 @!p0 $0x100000, s0  }
0xaa: {  	[sflag:s0] =	ssyncadd.tile.s32 @!p0 $0x1;
	_ =	shalt  }
.Lfunc_end2:
_tile_overlayer_lowered:
.L_overlay_start_2:
0xab: {  	(tag) =	ssettag $0x2  }
0xac: {  	s0 =	rddreg [dreg:$0x0];
	s2 =	stileid.u32  }
0xad: {  	s1 =	rddreg [dreg:$0x1];
	p0 =	sne.s32 s2, $0x0  }
0xae: {  	s3 =	rddreg [dreg:$0x2];
	[bflag:$0x3] =	sbarrier.arrive $0xFFFF;
	s2 =	simm.s32 @!p0 $0x1C0B  }
0xaf: {  	[timem:s3], [sflag:s2] =	dma.local @!p0 [hbm:s0], s1  }
0xb0: {  	s0 =	simm.s32 @!p0 $0xB  }
0xb1: {  	_ =	swait.ge @!p0 [sflag:s0], s1  }
0xb2: {  	s1 =	ssub.s32 @!p0 $0x0, s1;
	[sflag:s0] =	ssyncset.done @!p0 $0x0  }
0xb3: {  	[sflag:s0] =	ssyncadd.s32 @!p0 s1  }
0xb4: {  	[bflag:$0x3] =	sbarrier.arrive $0xFFFF  }
0xb5: {  	_ =	shalt  }

</sc_bundles>
